<compile_context>
chip_gen: v7x
topology: tpu7x:2x2x1
jax: 0.10.2.dev20260603
libtpu: 0.0.44.dev20260713+nightly
codegen_flags: <defaults>
</compile_context>

<pallas_src>
import functools

import jax
import jax.numpy as jnp
from jax import lax
from jax.experimental import pallas as pl
from jax.experimental.pallas import tpu as pltpu
from jax.experimental.pallas import tpu_sc as plsc

V = 100000
E = 6400000
NC = 2
NS = 16
NW = NC * NS
VPAD = 100352
CHUNK = 12800
NCHUNKS = E // CHUNK
CPW = NCHUNKS // NW
NTAIL = NCHUNKS - CPW * NW
SL = VPAD // NS
VB = VPAD // NW


def _scatter_body(eij_hbm, val_hbm, partial_hbm,
                  eij_sh, idx_v0, idx_v1, val_v0, val_v1, acc, lsem, ssem):
    cid = lax.axis_index("c")
    sid = lax.axis_index("s")
    wid = cid * NS + sid
    idx_bufs = (idx_v0, idx_v1)
    val_bufs = (val_v0, val_v1)

    @pl.loop(0, SL // 16, unroll=8)
    def _z(j):
        val_v0[pl.ds(j * 16, 16)] = jnp.zeros((16,), jnp.float32)

    pltpu.sync_copy(val_v0.at[pl.ds(0, SL)], acc.at[pl.ds(sid * SL, SL)])
    plsc.subcore_barrier()

    def _start(chunk_no, b):
        off = pl.multiple_of(chunk_no * CHUNK, 128)
        d1 = pltpu.async_copy(eij_hbm.at[:, pl.ds(off, CHUNK)],
                              eij_sh.at[sid, b], lsem)
        d2 = pltpu.async_copy(val_hbm.at[pl.ds(off, CHUNK)], val_bufs[b], lsem)
        return d1, d2

    def _wait(ld):
        ld[0].wait()
        ld[1].wait()

    def _compact(b):
        pltpu.sync_copy(eij_sh.at[sid, b, 1], idx_bufs[b])

    def _scatter(b):
        return pltpu.async_copy(val_bufs[b], acc.at[idx_bufs[b]], ssem,
                                add=True)

    def _drain(b):
        pltpu.make_async_copy(val_hbm.at[pl.ds(0, CHUNK)], val_bufs[b],
                              ssem).wait()

    ld = _start(wid * CPW, 0)
    _wait(ld)
    _compact(0)
    for k in range(CPW):
        b = k % 2
        _scatter(b)
        if k + 1 < CPW:
            ld = _start(wid * CPW + k + 1, 1 - b)
            _wait(ld)
            _compact(1 - b)
        _drain(b)
    @pl.when(wid < NTAIL)
    def _tail():
        ld2 = _start(NW * CPW + wid, 0)
        _wait(ld2)
        _compact(0)
        _scatter(0)
        _drain(0)

    plsc.subcore_barrier()
    pltpu.sync_copy(acc.at[pl.ds(sid * SL, SL)],
                    partial_hbm.at[pl.ds(cid * VPAD + sid * SL, SL)])


def _finalize_body(partial_hbm, b_hbm, r_hbm, p0_v, p1_v, b_v, r_v):
    cid = lax.axis_index("c")
    sid = lax.axis_index("s")
    wid = cid * NS + sid
    base = wid * VB

    pltpu.sync_copy(partial_hbm.at[pl.ds(base, VB)], p0_v)
    pltpu.sync_copy(partial_hbm.at[pl.ds(VPAD + base, VB)], p1_v)
    pltpu.sync_copy(b_hbm.at[pl.ds(base, VB)], b_v)

    @pl.loop(0, VB // 16)
    def _rows(i):
        s = pl.ds(i * 16, 16)
        r_v[s] = b_v[s] - (p0_v[s] + p1_v[s])

    pltpu.sync_copy(r_v, r_hbm.at[pl.ds(base, VB)])


def kernel(vertex_attr, edgeij_pair, edge_attr, g, batch):
    del g, batch
    mesh = plsc.VectorSubcoreMesh(core_axis_name="c", subcore_axis_name="s")

    scatter_k = pl.kernel(
        _scatter_body,
        out_type=jax.ShapeDtypeStruct((NC * VPAD,), jnp.float32),
        mesh=mesh,
        scratch_types=[
            pltpu.VMEM_SHARED((NS, 2, 2, CHUNK), jnp.int32),
            pltpu.VMEM((CHUNK,), jnp.int32),
            pltpu.VMEM((CHUNK,), jnp.int32),
            pltpu.VMEM((CHUNK,), jnp.float32),
            pltpu.VMEM((CHUNK,), jnp.float32),
            pltpu.VMEM_SHARED((VPAD,), jnp.float32),
            pltpu.SemaphoreType.DMA,
            pltpu.SemaphoreType.DMA,
        ],
    )
    finalize_k = pl.kernel(
        _finalize_body,
        out_type=jax.ShapeDtypeStruct((VPAD,), jnp.float32),
        mesh=mesh,
        scratch_types=[
            pltpu.VMEM((VB,), jnp.float32),
            pltpu.VMEM((VB,), jnp.float32),
            pltpu.VMEM((VB,), jnp.float32),
            pltpu.VMEM((VB,), jnp.float32),
        ],
    )

    partial = scatter_k(edgeij_pair, edge_attr)
    b_col = vertex_attr[:, 0]
    x_col = vertex_attr[:, 1]
    b_pad = jnp.pad(b_col, (0, VPAD - V))
    r = finalize_k(partial, b_pad)[:V]
    return jnp.stack([b_col, x_col, r], axis=1)

# --- scband reference (transcript-rebuilt; emitter-appended) ---
"""Pipeline reference for scband-iter1-layer1-vertex-update-91096256348938 (READ-ONLY COPY).

The authoritative reference and input builder live on the scoring server;
editing this copy changes nothing except your own understanding.
"""

import jax, jax.numpy as jnp
import numpy as np

N_VERTICES = 100000
N_EDGES = 6400000

def setup_inputs(seed: int = 0) -> dict:
    key = jax.random.key(seed)
    k1, k2, k3 = jax.random.split(key, 3)
    vertex_attr = jax.random.normal(k1, (N_VERTICES, 2), dtype=jnp.float32)
    edgeij_pair = jax.random.randint(k2, (2, N_EDGES), 0, N_VERTICES, dtype=jnp.int32)
    edge_attr = jax.random.normal(k3, (N_EDGES,), dtype=jnp.float32)
    g = 1
    batch = jnp.zeros((N_VERTICES,), dtype=jnp.int32)
    return {"vertex_attr": vertex_attr, "edgeij_pair": edgeij_pair, "edge_attr": edge_attr, "g": g, "batch": batch}

def edge_to_vertex_aggregation(edgeij_pair, edge_attr, n_vertices):
    # scatter-add each edge value onto its destination vertex (row 1 = dst)
    dst = edgeij_pair[1]
    return jax.ops.segment_sum(edge_attr, dst, num_segments=n_vertices)

def reference(vertex_attr, edgeij_pair, edge_attr, g, batch):
    b_i = vertex_attr[:, 0].reshape(-1, 1)
    x_i = vertex_attr[:, 1].reshape(-1, 1)
    n_vertices = b_i.shape[0]
    zbar_i = edge_to_vertex_aggregation(edgeij_pair, edge_attr, n_vertices).reshape(-1, 1)
    r_i = b_i - zbar_i
    return jnp.concatenate([b_i, x_i, r_i], axis=1)

if __name__ == "__main__":
    import jax
    _d = setup_inputs()
    print(jax.jit(kernel)(*tuple(_d.values())))

</pallas_src>

<mosaic_0001>
#map = affine_map<(d0, d1) -> (0, 0)>
#map1 = affine_map<(d0, d1) -> (0)>
module attributes {stable_mosaic.version = 14 : i64} {
  func.func @_scatter_body(%arg0: i32, %arg1: i32, %arg2: memref<2x6400000xi32, #tpu.memory_space<hbm>>, %arg3: memref<6400000xf32, #tpu.memory_space<hbm>>, %arg4: memref<200704xf32, #tpu.memory_space<hbm>>, %arg5: memref<16x2x2x12800xi32, #tpu.memory_space<vmem_shared>>, %arg6: memref<12800xi32, #tpu.memory_space<vmem>>, %arg7: memref<12800xi32, #tpu.memory_space<vmem>>, %arg8: memref<12800xf32, #tpu.memory_space<vmem>>, %arg9: memref<12800xf32, #tpu.memory_space<vmem>>, %arg10: memref<100352xf32, #tpu.memory_space<vmem_shared>>, %arg11: memref<!tpu.dma_semaphore, #tpu.memory_space<semaphore_mem>>, %arg12: memref<!tpu.dma_semaphore, #tpu.memory_space<semaphore_mem>>) attributes {dimension_semantics = [#tpu.dimension_semantics<core_parallel>, #tpu.dimension_semantics<subcore_parallel>], iteration_bounds = array<i64: 2, 16>, scalar_prefetch = 0 : i64, scratch_operands = 8 : i64, tpu.core_type = #tpu.core_type<sc_vector_subcore>, window_params = [{transform_indices = #map}, {transform_indices = #map1}, {transform_indices = #map1}]} {
    %mul3A = arith.constant 16 : i32
    %mul3A_0 = arith.muli %arg0, %mul3A : i32
    %add3A = arith.addi %mul3A_0, %arg1 : i32
    %scan3A = arith.constant 0 : i32
    %scan3A_1 = arith.constant 392 : i32
    %scan3A_2 = arith.addi %scan3A, %scan3A_1 : i32
    %scan3A_3 = arith.constant 8 : i32
    scf.for %scan3A_534 = %scan3A to %scan3A_2 step %scan3A_3  : i32 {
      %mul3A_535 = arith.constant 1 : i32
      %mul3A_536 = arith.muli %scan3A_534, %mul3A_535 : i32
      %add3A_537 = arith.constant 0 : i32
      %add3A_538 = arith.addi %add3A_537, %mul3A_536 : i32
      %broadcast_in_dim3A = arith.constant 0.000000e+00 : f32
      %broadcast_in_dim3A_539 = vector.broadcast %broadcast_in_dim3A : f32 to vector<16xf32>
      %mul3A_540 = arith.constant 16 : i32
      %mul3A_541 = arith.muli %add3A_538, %mul3A_540 : i32
      %swap3A = arith.index_cast %mul3A_541 : i32 to index
      %swap3A_542 = tpu.vector_load %arg8[%swap3A] {strides = array<i32>} : memref<12800xf32, #tpu.memory_space<vmem>>, vector<16xf32>,
      %swap3A_543 = vector.shape_cast %swap3A_542 : vector<16xf32> to vector<16xf32>
      %swap3A_544 = vector.shape_cast %broadcast_in_dim3A_539 : vector<16xf32> to vector<16xf32>
      tpu.vector_store %arg8[%swap3A], %swap3A_544 {strides = array<i32>} : memref<12800xf32, #tpu.memory_space<vmem>>, vector<16xf32>,
      %scan3A_545 = arith.constant 1 : i32
      %scan3A_546 = arith.addi %scan3A_534, %scan3A_545 : i32
      %mul3A_547 = arith.constant 1 : i32
      %mul3A_548 = arith.muli %scan3A_546, %mul3A_547 : i32
      %add3A_549 = arith.constant 0 : i32
      %add3A_550 = arith.addi %add3A_549, %mul3A_548 : i32
      %broadcast_in_dim3A_551 = arith.constant 0.000000e+00 : f32
      %broadcast_in_dim3A_552 = vector.broadcast %broadcast_in_dim3A_551 : f32 to vector<16xf32>
      %mul3A_553 = arith.constant 16 : i32
      %mul3A_554 = arith.muli %add3A_550, %mul3A_553 : i32
      %swap3A_555 = arith.index_cast %mul3A_554 : i32 to index
      %swap3A_556 = tpu.vector_load %arg8[%swap3A_555] {strides = array<i32>} : memref<12800xf32, #tpu.memory_space<vmem>>, vector<16xf32>,
      %swap3A_557 = vector.shape_cast %swap3A_556 : vector<16xf32> to vector<16xf32>
      %swap3A_558 = vector.shape_cast %broadcast_in_dim3A_552 : vector<16xf32> to vector<16xf32>
      tpu.vector_store %arg8[%swap3A_555], %swap3A_558 {strides = array<i32>} : memref<12800xf32, #tpu.memory_space<vmem>>, vector<16xf32>,
      %scan3A_559 = arith.constant 2 : i32
      %scan3A_560 = arith.addi %scan3A_534, %scan3A_559 : i32
      %mul3A_561 = arith.constant 1 : i32
      %mul3A_562 = arith.muli %scan3A_560, %mul3A_561 : i32
      %add3A_563 = arith.constant 0 : i32
      %add3A_564 = arith.addi %add3A_563, %mul3A_562 : i32
      %broadcast_in_dim3A_565 = arith.constant 0.000000e+00 : f32
      %broadcast_in_dim3A_566 = vector.broadcast %broadcast_in_dim3A_565 : f32 to vector<16xf32>
      %mul3A_567 = arith.constant 16 : i32
      %mul3A_568 = arith.muli %add3A_564, %mul3A_567 : i32
      %swap3A_569 = arith.index_cast %mul3A_568 : i32 to index
      %swap3A_570 = tpu.vector_load %arg8[%swap3A_569] {strides = array<i32>} : memref<12800xf32, #tpu.memory_space<vmem>>, vector<16xf32>,
      %swap3A_571 = vector.shape_cast %swap3A_570 : vector<16xf32> to vector<16xf32>
      %swap3A_572 = vector.shape_cast %broadcast_in_dim3A_566 : vector<16xf32> to vector<16xf32>
      tpu.vector_store %arg8[%swap3A_569], %swap3A_572 {strides = array<i32>} : memref<12800xf32, #tpu.memory_space<vmem>>, vector<16xf32>,
      %scan3A_573 = arith.constant 3 : i32
      %scan3A_574 = arith.addi %scan3A_534, %scan3A_573 : i32
      %mul3A_575 = arith.constant 1 : i32
      %mul3A_576 = arith.muli %scan3A_574, %mul3A_575 : i32
      %add3A_577 = arith.constant 0 : i32
      %add3A_578 = arith.addi %add3A_577, %mul3A_576 : i32
      %broadcast_in_dim3A_579 = arith.constant 0.000000e+00 : f32
      %broadcast_in_dim3A_580 = vector.broadcast %broadcast_in_dim3A_579 : f32 to vector<16xf32>
      %mul3A_581 = arith.constant 16 : i32
      %mul3A_582 = arith.muli %add3A_578, %mul3A_581 : i32
      %swap3A_583 = arith.index_cast %mul3A_582 : i32 to index
      %swap3A_584 = tpu.vector_load %arg8[%swap3A_583] {strides = array<i32>} : memref<12800xf32, #tpu.memory_space<vmem>>, vector<16xf32>,
      %swap3A_585 = vector.shape_cast %swap3A_584 : vector<16xf32> to vector<16xf32>
      %swap3A_586 = vector.shape_cast %broadcast_in_dim3A_580 : vector<16xf32> to vector<16xf32>
      tpu.vector_store %arg8[%swap3A_583], %swap3A_586 {strides = array<i32>} : memref<12800xf32, #tpu.memory_space<vmem>>, vector<16xf32>,
      %scan3A_587 = arith.constant 4 : i32
      %scan3A_588 = arith.addi %scan3A_534, %scan3A_587 : i32
      %mul3A_589 = arith.constant 1 : i32
      %mul3A_590 = arith.muli %scan3A_588, %mul3A_589 : i32
      %add3A_591 = arith.constant 0 : i32
      %add3A_592 = arith.addi %add3A_591, %mul3A_590 : i32
      %broadcast_in_dim3A_593 = arith.constant 0.000000e+00 : f32
      %broadcast_in_dim3A_594 = vector.broadcast %broadcast_in_dim3A_593 : f32 to vector<16xf32>
      %mul3A_595 = arith.constant 16 : i32
      %mul3A_596 = arith.muli %add3A_592, %mul3A_595 : i32
      %swap3A_597 = arith.index_cast %mul3A_596 : i32 to index
      %swap3A_598 = tpu.vector_load %arg8[%swap3A_597] {strides = array<i32>} : memref<12800xf32, #tpu.memory_space<vmem>>, vector<16xf32>,
      %swap3A_599 = vector.shape_cast %swap3A_598 : vector<16xf32> to vector<16xf32>
      %swap3A_600 = vector.shape_cast %broadcast_in_dim3A_594 : vector<16xf32> to vector<16xf32>
      tpu.vector_store %arg8[%swap3A_597], %swap3A_600 {strides = array<i32>} : memref<12800xf32, #tpu.memory_space<vmem>>, vector<16xf32>,
      %scan3A_601 = arith.constant 5 : i32
      %scan3A_602 = arith.addi %scan3A_534, %scan3A_601 : i32
      %mul3A_603 = arith.constant 1 : i32
      %mul3A_604 = arith.muli %scan3A_602, %mul3A_603 : i32
      %add3A_605 = arith.constant 0 : i32
      %add3A_606 = arith.addi %add3A_605, %mul3A_604 : i32
      %broadcast_in_dim3A_607 = arith.constant 0.000000e+00 : f32
      %broadcast_in_dim3A_608 = vector.broadcast %broadcast_in_dim3A_607 : f32 to vector<16xf32>
      %mul3A_609 = arith.constant 16 : i32
      %mul3A_610 = arith.muli %add3A_606, %mul3A_609 : i32
      %swap3A_611 = arith.index_cast %mul3A_610 : i32 to index
      %swap3A_612 = tpu.vector_load %arg8[%swap3A_611] {strides = array<i32>} : memref<12800xf32, #tpu.memory_space<vmem>>, vector<16xf32>,
      %swap3A_613 = vector.shape_cast %swap3A_612 : vector<16xf32> to vector<16xf32>
      %swap3A_614 = vector.shape_cast %broadcast_in_dim3A_608 : vector<16xf32> to vector<16xf32>
      tpu.vector_store %arg8[%swap3A_611], %swap3A_614 {strides = array<i32>} : memref<12800xf32, #tpu.memory_space<vmem>>, vector<16xf32>,
      %scan3A_615 = arith.constant 6 : i32
      %scan3A_616 = arith.addi %scan3A_534, %scan3A_615 : i32
      %mul3A_617 = arith.constant 1 : i32
      %mul3A_618 = arith.muli %scan3A_616, %mul3A_617 : i32
      %add3A_619 = arith.constant 0 : i32
      %add3A_620 = arith.addi %add3A_619, %mul3A_618 : i32
      %broadcast_in_dim3A_621 = arith.constant 0.000000e+00 : f32
      %broadcast_in_dim3A_622 = vector.broadcast %broadcast_in_dim3A_621 : f32 to vector<16xf32>
      %mul3A_623 = arith.constant 16 : i32
      %mul3A_624 = arith.muli %add3A_620, %mul3A_623 : i32
      %swap3A_625 = arith.index_cast %mul3A_624 : i32 to index
      %swap3A_626 = tpu.vector_load %arg8[%swap3A_625] {strides = array<i32>} : memref<12800xf32, #tpu.memory_space<vmem>>, vector<16xf32>,
      %swap3A_627 = vector.shape_cast %swap3A_626 : vector<16xf32> to vector<16xf32>
      %swap3A_628 = vector.shape_cast %broadcast_in_dim3A_622 : vector<16xf32> to vector<16xf32>
      tpu.vector_store %arg8[%swap3A_625], %swap3A_628 {strides = array<i32>} : memref<12800xf32, #tpu.memory_space<vmem>>, vector<16xf32>,
      %scan3A_629 = arith.constant 7 : i32
      %scan3A_630 = arith.addi %scan3A_534, %scan3A_629 : i32
      %mul3A_631 = arith.constant 1 : i32
      %mul3A_632 = arith.muli %scan3A_630, %mul3A_631 : i32
      %add3A_633 = arith.constant 0 : i32
      %add3A_634 = arith.addi %add3A_633, %mul3A_632 : i32
      %broadcast_in_dim3A_635 = arith.constant 0.000000e+00 : f32
      %broadcast_in_dim3A_636 = vector.broadcast %broadcast_in_dim3A_635 : f32 to vector<16xf32>
      %mul3A_637 = arith.constant 16 : i32
      %mul3A_638 = arith.muli %add3A_634, %mul3A_637 : i32
      %swap3A_639 = arith.index_cast %mul3A_638 : i32 to index
      %swap3A_640 = tpu.vector_load %arg8[%swap3A_639] {strides = array<i32>} : memref<12800xf32, #tpu.memory_space<vmem>>, vector<16xf32>,
      %swap3A_641 = vector.shape_cast %swap3A_640 : vector<16xf32> to vector<16xf32>
      %swap3A_642 = vector.shape_cast %broadcast_in_dim3A_636 : vector<16xf32> to vector<16xf32>
      tpu.vector_store %arg8[%swap3A_639], %swap3A_642 {strides = array<i32>} : memref<12800xf32, #tpu.memory_space<vmem>>, vector<16xf32>,
    }
    %scan3A_4 = arith.constant 392 : i32
    %mul3A_5 = arith.constant 6272 : i32
    %mul3A_6 = arith.muli %arg1, %mul3A_5 : i32
    "tpu.region"() ({
      %run_scoped3A_534 = tpu.sem_alloc : memref<!tpu.dma_semaphore, #tpu.memory_space<semaphore_mem>>
      %dma_start3A_535 = arith.constant 0 : i32
      %dma_start3A_536 = tpu.memref_slice %arg8[%dma_start3A_535] : memref<12800xf32, #tpu.memory_space<vmem>> -> memref<6272xf32, #tpu.memory_space<vmem>>
      %dma_start3A_537 = tpu.memref_slice %arg10[%mul3A_6] : memref<100352xf32, #tpu.memory_space<vmem_shared>> -> memref<6272xf32, #tpu.memory_space<vmem_shared>>
      %dma_start3A_538 = tpu.memref_slice %arg10[%mul3A_6] : memref<100352xf32, #tpu.memory_space<vmem_shared>> -> memref<6272xf32, #tpu.memory_space<vmem_shared>>
      %dma_start3A_539 = arith.constant 0 : i32
      %dma_start3A_540 = tpu.memref_slice %arg8[%dma_start3A_539] : memref<12800xf32, #tpu.memory_space<vmem>> -> memref<6272xf32, #tpu.memory_space<vmem>>
      tpu.enqueue_dma source(%dma_start3A_540 : memref<6272xf32, #tpu.memory_space<vmem>>) target(%dma_start3A_538 : memref<6272xf32, #tpu.memory_space<vmem_shared>>) target_semaphore(%run_scoped3A_534 : memref<!tpu.dma_semaphore, #tpu.memory_space<semaphore_mem>>)
      %dma_wait3A_541 = arith.constant 0 : i32
      %dma_wait3A_542 = tpu.memref_slice %arg8[%dma_wait3A_541] : memref<12800xf32, #tpu.memory_space<vmem>> -> memref<6272xf32, #tpu.memory_space<vmem>>
      %dma_wait3A_543 = tpu.memref_slice %arg10[%mul3A_6] : memref<100352xf32, #tpu.memory_space<vmem_shared>> -> memref<6272xf32, #tpu.memory_space<vmem_shared>>
      %dma_wait3A_544 = tpu.memref_slice %arg10[%mul3A_6] : memref<100352xf32, #tpu.memory_space<vmem_shared>> -> memref<6272xf32, #tpu.memory_space<vmem_shared>>
      %dma_wait3A_545 = arith.constant 0 : i32
      %dma_wait3A_546 = tpu.memref_slice %arg8[%dma_wait3A_545] : memref<12800xf32, #tpu.memory_space<vmem>> -> memref<6272xf32, #tpu.memory_space<vmem>>
      tpu.wait_dma2 semaphore(%run_scoped3A_534 : memref<!tpu.dma_semaphore, #tpu.memory_space<semaphore_mem>>) src(%dma_wait3A_546 : memref<6272xf32, #tpu.memory_space<vmem>>) dst(%dma_wait3A_544 : memref<6272xf32, #tpu.memory_space<vmem_shared>>)
      tpu.yield
    }) : () -> ()
    %barrier3A = arith.constant 0 : index
    tpu.barrier barrier_id(%barrier3A)
    %mul3A_7 = arith.constant 15 : i32
    %mul3A_8 = arith.muli %add3A, %mul3A_7 : i32
    %mul3A_9 = arith.constant 12800 : i32
    %mul3A_10 = arith.muli %mul3A_8, %mul3A_9 : i32
    %multiple_of3A = tpu.assume_multiple %mul3A_10, 128 : i32
    %dma_start3A = arith.constant 0 : i32
    %dma_start3A_11 = arith.constant 0 : i32
    %dma_start3A_12 = arith.constant 0 : i32
    %dma_start3A_13 = tpu.memref_slice %arg5[%arg1, %dma_start3A, %dma_start3A_11, %dma_start3A_12] : memref<16x2x2x12800xi32, #tpu.memory_space<vmem_shared>> -> memref<1x1x2x12800xi32, #tpu.memory_space<vmem_shared>>
    %dma_start3A_14 = tpu.memref_squeeze %dma_start3A_13 : memref<1x1x2x12800xi32, #tpu.memory_space<vmem_shared>> -> memref<2x12800xi32, #tpu.memory_space<vmem_shared>>
    %dma_start3A_15 = arith.constant 0 : i32
    %dma_start3A_16 = tpu.memref_slice %arg2[%dma_start3A_15, %multiple_of3A] : memref<2x6400000xi32, #tpu.memory_space<hbm>> -> memref<2x12800xi32, #tpu.memory_space<hbm>>
    tpu.enqueue_dma source(%dma_start3A_16 : memref<2x12800xi32, #tpu.memory_space<hbm>>) target(%dma_start3A_14 : memref<2x12800xi32, #tpu.memory_space<vmem_shared>>) target_semaphore(%arg11 : memref<!tpu.dma_semaphore, #tpu.memory_space<semaphore_mem>>)
    %dma_start3A_17 = tpu.memref_slice %arg3[%multiple_of3A] : memref<6400000xf32, #tpu.memory_space<hbm>> -> memref<12800xf32, #tpu.memory_space<hbm>>
    %dma_start3A_18 = tpu.memref_slice %arg3[%multiple_of3A] : memref<6400000xf32, #tpu.memory_space<hbm>> -> memref<12800xf32, #tpu.memory_space<hbm>>
    tpu.enqueue_dma source(%dma_start3A_18 : memref<12800xf32, #tpu.memory_space<hbm>>) target(%arg8 : memref<12800xf32, #tpu.memory_space<vmem>>) target_semaphore(%arg11 : memref<!tpu.dma_semaphore, #tpu.memory_space<semaphore_mem>>)
    %dma_wait3A = arith.constant 0 : i32
    %dma_wait3A_19 = arith.constant 0 : i32
    %dma_wait3A_20 = arith.constant 0 : i32
    %dma_wait3A_21 = tpu.memref_slice %arg5[%arg1, %dma_wait3A, %dma_wait3A_19, %dma_wait3A_20] : memref<16x2x2x12800xi32, #tpu.memory_space<vmem_shared>> -> memref<1x1x2x12800xi32, #tpu.memory_space<vmem_shared>>
    %dma_wait3A_22 = tpu.memref_squeeze %dma_wait3A_21 : memref<1x1x2x12800xi32, #tpu.memory_space<vmem_shared>> -> memref<2x12800xi32, #tpu.memory_space<vmem_shared>>
    %dma_wait3A_23 = arith.constant 0 : i32
    %dma_wait3A_24 = tpu.memref_slice %arg2[%dma_wait3A_23, %multiple_of3A] : memref<2x6400000xi32, #tpu.memory_space<hbm>> -> memref<2x12800xi32, #tpu.memory_space<hbm>>
    tpu.wait_dma2 semaphore(%arg11 : memref<!tpu.dma_semaphore, #tpu.memory_space<semaphore_mem>>) src(%dma_wait3A_24 : memref<2x12800xi32, #tpu.memory_space<hbm>>) dst(%dma_wait3A_22 : memref<2x12800xi32, #tpu.memory_space<vmem_shared>>)
    %dma_wait3A_25 = tpu.memref_slice %arg3[%multiple_of3A] : memref<6400000xf32, #tpu.memory_space<hbm>> -> memref<12800xf32, #tpu.memory_space<hbm>>
    %dma_wait3A_26 = tpu.memref_slice %arg3[%multiple_of3A] : memref<6400000xf32, #tpu.memory_space<hbm>> -> memref<12800xf32, #tpu.memory_space<hbm>>
    tpu.wait_dma2 semaphore(%arg11 : memref<!tpu.dma_semaphore, #tpu.memory_space<semaphore_mem>>) src(%dma_wait3A_26 : memref<12800xf32, #tpu.memory_space<hbm>>) dst(%arg8 : memref<12800xf32, #tpu.memory_space<vmem>>)
    %run_scoped3A = arith.constant 0 : i32
    %run_scoped3A_27 = arith.constant 1 : i32
    "tpu.region"() ({
      %run_scoped3A_534 = tpu.sem_alloc : memref<!tpu.dma_semaphore, #tpu.memory_space<semaphore_mem>>
      %dma_start3A_535 = arith.constant 0 : i32
      %dma_start3A_536 = tpu.memref_slice %arg5[%arg1, %run_scoped3A, %run_scoped3A_27, %dma_start3A_535] : memref<16x2x2x12800xi32, #tpu.memory_space<vmem_shared>> -> memref<1x1x1x12800xi32, #tpu.memory_space<vmem_shared>>
      %dma_start3A_537 = tpu.memref_squeeze %dma_start3A_536 : memref<1x1x1x12800xi32, #tpu.memory_space<vmem_shared>> -> memref<12800xi32, #tpu.memory_space<vmem_shared>>
      %dma_start3A_538 = arith.constant 0 : i32
      %dma_start3A_539 = tpu.memref_slice %arg5[%arg1, %run_scoped3A, %run_scoped3A_27, %dma_start3A_538] : memref<16x2x2x12800xi32, #tpu.memory_space<vmem_shared>> -> memref<1x1x1x12800xi32, #tpu.memory_space<vmem_shared>>
      %dma_start3A_540 = tpu.memref_squeeze %dma_start3A_539 : memref<1x1x1x12800xi32, #tpu.memory_space<vmem_shared>> -> memref<12800xi32, #tpu.memory_space<vmem_shared>>
      tpu.enqueue_dma source(%dma_start3A_540 : memref<12800xi32, #tpu.memory_space<vmem_shared>>) target(%arg6 : memref<12800xi32, #tpu.memory_space<vmem>>) target_semaphore(%run_scoped3A_534 : memref<!tpu.dma_semaphore, #tpu.memory_space<semaphore_mem>>)
      %dma_wait3A_541 = arith.constant 0 : i32
      %dma_wait3A_542 = tpu.memref_slice %arg5[%arg1, %run_scoped3A, %run_scoped3A_27, %dma_wait3A_541] : memref<16x2x2x12800xi32, #tpu.memory_space<vmem_shared>> -> memref<1x1x1x12800xi32, #tpu.memory_space<vmem_shared>>
      %dma_wait3A_543 = tpu.memref_squeeze %dma_wait3A_542 : memref<1x1x1x12800xi32, #tpu.memory_space<vmem_shared>> -> memref<12800xi32, #tpu.memory_space<vmem_shared>>
      %dma_wait3A_544 = arith.constant 0 : i32
      %dma_wait3A_545 = tpu.memref_slice %arg5[%arg1, %run_scoped3A, %run_scoped3A_27, %dma_wait3A_544] : memref<16x2x2x12800xi32, #tpu.memory_space<vmem_shared>> -> memref<1x1x1x12800xi32, #tpu.memory_space<vmem_shared>>
      %dma_wait3A_546 = tpu.memref_squeeze %dma_wait3A_545 : memref<1x1x1x12800xi32, #tpu.memory_space<vmem_shared>> -> memref<12800xi32, #tpu.memory_space<vmem_shared>>
      tpu.wait_dma2 semaphore(%run_scoped3A_534 : memref<!tpu.dma_semaphore, #tpu.memory_space<semaphore_mem>>) src(%dma_wait3A_546 : memref<12800xi32, #tpu.memory_space<vmem_shared>>) dst(%arg6 : memref<12800xi32, #tpu.memory_space<vmem>>)
      tpu.yield
    }) : () -> ()
    %dma_start3A_28 = arith.constant 0 : i32
    %dma_start3A_29 = tpu.memref_slice %arg10[%dma_start3A_28] : memref<100352xf32, #tpu.memory_space<vmem_shared>> -> memref<100352xf32, #tpu.memory_space<vmem_shared>>
    tpu.enqueue_indirect_dma source(%arg8 : memref<12800xf32, #tpu.memory_space<vmem>>) target(%dma_start3A_29 : memref<100352xf32, #tpu.memory_space<vmem_shared>>) offsets(%arg6 : memref<12800xi32, #tpu.memory_space<vmem>>) semaphore(%arg12 : memref<!tpu.dma_semaphore, #tpu.memory_space<semaphore_mem>>) {add = true}
    %mul3A_30 = arith.constant 15 : i32
    %mul3A_31 = arith.muli %add3A, %mul3A_30 : i32
    %add3A_32 = arith.constant 0 : i32
    %add3A_33 = arith.addi %mul3A_31, %add3A_32 : i32
    %add3A_34 = arith.constant 1 : i32
    %add3A_35 = arith.addi %add3A_33, %add3A_34 : i32
    %mul3A_36 = arith.constant 12800 : i32
    %mul3A_37 = arith.muli %add3A_35, %mul3A_36 : i32
    %multiple_of3A_38 = tpu.assume_multiple %mul3A_37, 128 : i32
    %dma_start3A_39 = arith.constant 1 : i32
    %dma_start3A_40 = arith.constant 0 : i32
    %dma_start3A_41 = arith.constant 0 : i32
    %dma_start3A_42 = tpu.memref_slice %arg5[%arg1, %dma_start3A_39, %dma_start3A_40, %dma_start3A_41] : memref<16x2x2x12800xi32, #tpu.memory_space<vmem_shared>> -> memref<1x1x2x12800xi32, #tpu.memory_space<vmem_shared>>
    %dma_start3A_43 = tpu.memref_squeeze %dma_start3A_42 : memref<1x1x2x12800xi32, #tpu.memory_space<vmem_shared>> -> memref<2x12800xi32, #tpu.memory_space<vmem_shared>>
    %dma_start3A_44 = arith.constant 0 : i32
    %dma_start3A_45 = tpu.memref_slice %arg2[%dma_start3A_44, %multiple_of3A_38] : memref<2x6400000xi32, #tpu.memory_space<hbm>> -> memref<2x12800xi32, #tpu.memory_space<hbm>>
    tpu.enqueue_dma source(%dma_start3A_45 : memref<2x12800xi32, #tpu.memory_space<hbm>>) target(%dma_start3A_43 : memref<2x12800xi32, #tpu.memory_space<vmem_shared>>) target_semaphore(%arg11 : memref<!tpu.dma_semaphore, #tpu.memory_space<semaphore_mem>>)
    %dma_start3A_46 = tpu.memref_slice %arg3[%multiple_of3A_38] : memref<6400000xf32, #tpu.memory_space<hbm>> -> memref<12800xf32, #tpu.memory_space<hbm>>
    %dma_start3A_47 = tpu.memref_slice %arg3[%multiple_of3A_38] : memref<6400000xf32, #tpu.memory_space<hbm>> -> memref<12800xf32, #tpu.memory_space<hbm>>
    tpu.enqueue_dma source(%dma_start3A_47 : memref<12800xf32, #tpu.memory_space<hbm>>) target(%arg9 : memref<12800xf32, #tpu.memory_space<vmem>>) target_semaphore(%arg11 : memref<!tpu.dma_semaphore, #tpu.memory_space<semaphore_mem>>)
    %dma_wait3A_48 = arith.constant 1 : i32
    %dma_wait3A_49 = arith.constant 0 : i32
    %dma_wait3A_50 = arith.constant 0 : i32
    %dma_wait3A_51 = tpu.memref_slice %arg5[%arg1, %dma_wait3A_48, %dma_wait3A_49, %dma_wait3A_50] : memref<16x2x2x12800xi32, #tpu.memory_space<vmem_shared>> -> memref<1x1x2x12800xi32, #tpu.memory_space<vmem_shared>>
    %dma_wait3A_52 = tpu.memref_squeeze %dma_wait3A_51 : memref<1x1x2x12800xi32, #tpu.memory_space<vmem_shared>> -> memref<2x12800xi32, #tpu.memory_space<vmem_shared>>
    %dma_wait3A_53 = arith.constant 0 : i32
    %dma_wait3A_54 = tpu.memref_slice %arg2[%dma_wait3A_53, %multiple_of3A_38] : memref<2x6400000xi32, #tpu.memory_space<hbm>> -> memref<2x12800xi32, #tpu.memory_space<hbm>>
    tpu.wait_dma2 semaphore(%arg11 : memref<!tpu.dma_semaphore, #tpu.memory_space<semaphore_mem>>) src(%dma_wait3A_54 : memref<2x12800xi32, #tpu.memory_space<hbm>>) dst(%dma_wait3A_52 : memref<2x12800xi32, #tpu.memory_space<vmem_shared>>)
    %dma_wait3A_55 = tpu.memref_slice %arg3[%multiple_of3A_38] : memref<6400000xf32, #tpu.memory_space<hbm>> -> memref<12800xf32, #tpu.memory_space<hbm>>
    %dma_wait3A_56 = tpu.memref_slice %arg3[%multiple_of3A_38] : memref<6400000xf32, #tpu.memory_space<hbm>> -> memref<12800xf32, #tpu.memory_space<hbm>>
    tpu.wait_dma2 semaphore(%arg11 : memref<!tpu.dma_semaphore, #tpu.memory_space<semaphore_mem>>) src(%dma_wait3A_56 : memref<12800xf32, #tpu.memory_space<hbm>>) dst(%arg9 : memref<12800xf32, #tpu.memory_space<vmem>>)
    %run_scoped3A_57 = arith.constant 1 : i32
    %run_scoped3A_58 = arith.constant 1 : i32
    "tpu.region"() ({
      %run_scoped3A_534 = tpu.sem_alloc : memref<!tpu.dma_semaphore, #tpu.memory_space<semaphore_mem>>
      %dma_start3A_535 = arith.constant 0 : i32
      %dma_start3A_536 = tpu.memref_slice %arg5[%arg1, %run_scoped3A_57, %run_scoped3A_58, %dma_start3A_535] : memref<16x2x2x12800xi32, #tpu.memory_space<vmem_shared>> -> memref<1x1x1x12800xi32, #tpu.memory_space<vmem_shared>>
      %dma_start3A_537 = tpu.memref_squeeze %dma_start3A_536 : memref<1x1x1x12800xi32, #tpu.memory_space<vmem_shared>> -> memref<12800xi32, #tpu.memory_space<vmem_shared>>
      %dma_start3A_538 = arith.constant 0 : i32
      %dma_start3A_539 = tpu.memref_slice %arg5[%arg1, %run_scoped3A_57, %run_scoped3A_58, %dma_start3A_538] : memref<16x2x2x12800xi32, #tpu.memory_space<vmem_shared>> -> memref<1x1x1x12800xi32, #tpu.memory_space<vmem_shared>>
      %dma_start3A_540 = tpu.memref_squeeze %dma_start3A_539 : memref<1x1x1x12800xi32, #tpu.memory_space<vmem_shared>> -> memref<12800xi32, #tpu.memory_space<vmem_shared>>
      tpu.enqueue_dma source(%dma_start3A_540 : memref<12800xi32, #tpu.memory_space<vmem_shared>>) target(%arg7 : memref<12800xi32, #tpu.memory_space<vmem>>) target_semaphore(%run_scoped3A_534 : memref<!tpu.dma_semaphore, #tpu.memory_space<semaphore_mem>>)
      %dma_wait3A_541 = arith.constant 0 : i32
      %dma_wait3A_542 = tpu.memref_slice %arg5[%arg1, %run_scoped3A_57, %run_scoped3A_58, %dma_wait3A_541] : memref<16x2x2x12800xi32, #tpu.memory_space<vmem_shared>> -> memref<1x1x1x12800xi32, #tpu.memory_space<vmem_shared>>
      %dma_wait3A_543 = tpu.memref_squeeze %dma_wait3A_542 : memref<1x1x1x12800xi32, #tpu.memory_space<vmem_shared>> -> memref<12800xi32, #tpu.memory_space<vmem_shared>>
      %dma_wait3A_544 = arith.constant 0 : i32
      %dma_wait3A_545 = tpu.memref_slice %arg5[%arg1, %run_scoped3A_57, %run_scoped3A_58, %dma_wait3A_544] : memref<16x2x2x12800xi32, #tpu.memory_space<vmem_shared>> -> memref<1x1x1x12800xi32, #tpu.memory_space<vmem_shared>>
      %dma_wait3A_546 = tpu.memref_squeeze %dma_wait3A_545 : memref<1x1x1x12800xi32, #tpu.memory_space<vmem_shared>> -> memref<12800xi32, #tpu.memory_space<vmem_shared>>
      tpu.wait_dma2 semaphore(%run_scoped3A_534 : memref<!tpu.dma_semaphore, #tpu.memory_space<semaphore_mem>>) src(%dma_wait3A_546 : memref<12800xi32, #tpu.memory_space<vmem_shared>>) dst(%arg7 : memref<12800xi32, #tpu.memory_space<vmem>>)
      tpu.yield
    }) : () -> ()
    %dma_wait3A_59 = arith.constant 0 : i32
    %dma_wait3A_60 = tpu.memref_slice %arg3[%dma_wait3A_59] : memref<6400000xf32, #tpu.memory_space<hbm>> -> memref<12800xf32, #tpu.memory_space<hbm>>
    %dma_wait3A_61 = arith.constant 0 : i32
    %dma_wait3A_62 = tpu.memref_slice %arg3[%dma_wait3A_61] : memref<6400000xf32, #tpu.memory_space<hbm>> -> memref<12800xf32, #tpu.memory_space<hbm>>
    tpu.wait_dma2 semaphore(%arg12 : memref<!tpu.dma_semaphore, #tpu.memory_space<semaphore_mem>>) src(%dma_wait3A_62 : memref<12800xf32, #tpu.memory_space<hbm>>) dst(%arg8 : memref<12800xf32, #tpu.memory_space<vmem>>)
    %dma_start3A_63 = arith.constant 0 : i32
    %dma_start3A_64 = tpu.memref_slice %arg10[%dma_start3A_63] : memref<100352xf32, #tpu.memory_space<vmem_shared>> -> memref<100352xf32, #tpu.memory_space<vmem_shared>>
    tpu.enqueue_indirect_dma source(%arg9 : memref<12800xf32, #tpu.memory_space<vmem>>) target(%dma_start3A_64 : memref<100352xf32, #tpu.memory_space<vmem_shared>>) offsets(%arg7 : memref<12800xi32, #tpu.memory_space<vmem>>) semaphore(%arg12 : memref<!tpu.dma_semaphore, #tpu.memory_space<semaphore_mem>>) {add = true}
    %mul3A_65 = arith.constant 15 : i32
    %mul3A_66 = arith.muli %add3A, %mul3A_65 : i32
    %add3A_67 = arith.constant 1 : i32
    %add3A_68 = arith.addi %mul3A_66, %add3A_67 : i32
    %add3A_69 = arith.constant 1 : i32
    %add3A_70 = arith.addi %add3A_68, %add3A_69 : i32
    %mul3A_71 = arith.constant 12800 : i32
    %mul3A_72 = arith.muli %add3A_70, %mul3A_71 : i32
    %multiple_of3A_73 = tpu.assume_multiple %mul3A_72, 128 : i32
    %dma_start3A_74 = arith.constant 0 : i32
    %dma_start3A_75 = arith.constant 0 : i32
    %dma_start3A_76 = arith.constant 0 : i32
    %dma_start3A_77 = tpu.memref_slice %arg5[%arg1, %dma_start3A_74, %dma_start3A_75, %dma_start3A_76] : memref<16x2x2x12800xi32, #tpu.memory_space<vmem_shared>> -> memref<1x1x2x12800xi32, #tpu.memory_space<vmem_shared>>
    %dma_start3A_78 = tpu.memref_squeeze %dma_start3A_77 : memref<1x1x2x12800xi32, #tpu.memory_space<vmem_shared>> -> memref<2x12800xi32, #tpu.memory_space<vmem_shared>>
    %dma_start3A_79 = arith.constant 0 : i32
    %dma_start3A_80 = tpu.memref_slice %arg2[%dma_start3A_79, %multiple_of3A_73] : memref<2x6400000xi32, #tpu.memory_space<hbm>> -> memref<2x12800xi32, #tpu.memory_space<hbm>>
    tpu.enqueue_dma source(%dma_start3A_80 : memref<2x12800xi32, #tpu.memory_space<hbm>>) target(%dma_start3A_78 : memref<2x12800xi32, #tpu.memory_space<vmem_shared>>) target_semaphore(%arg11 : memref<!tpu.dma_semaphore, #tpu.memory_space<semaphore_mem>>)
    %dma_start3A_81 = tpu.memref_slice %arg3[%multiple_of3A_73] : memref<6400000xf32, #tpu.memory_space<hbm>> -> memref<12800xf32, #tpu.memory_space<hbm>>
    %dma_start3A_82 = tpu.memref_slice %arg3[%multiple_of3A_73] : memref<6400000xf32, #tpu.memory_space<hbm>> -> memref<12800xf32, #tpu.memory_space<hbm>>
    tpu.enqueue_dma source(%dma_start3A_82 : memref<12800xf32, #tpu.memory_space<hbm>>) target(%arg8 : memref<12800xf32, #tpu.memory_space<vmem>>) target_semaphore(%arg11 : memref<!tpu.dma_semaphore, #tpu.memory_space<semaphore_mem>>)
    %dma_wait3A_83 = arith.constant 0 : i32
    %dma_wait3A_84 = arith.constant 0 : i32
    %dma_wait3A_85 = arith.constant 0 : i32
    %dma_wait3A_86 = tpu.memref_slice %arg5[%arg1, %dma_wait3A_83, %dma_wait3A_84, %dma_wait3A_85] : memref<16x2x2x12800xi32, #tpu.memory_space<vmem_shared>> -> memref<1x1x2x12800xi32, #tpu.memory_space<vmem_shared>>
    %dma_wait3A_87 = tpu.memref_squeeze %dma_wait3A_86 : memref<1x1x2x12800xi32, #tpu.memory_space<vmem_shared>> -> memref<2x12800xi32, #tpu.memory_space<vmem_shared>>
    %dma_wait3A_88 = arith.constant 0 : i32
    %dma_wait3A_89 = tpu.memref_slice %arg2[%dma_wait3A_88, %multiple_of3A_73] : memref<2x6400000xi32, #tpu.memory_space<hbm>> -> memref<2x12800xi32, #tpu.memory_space<hbm>>
    tpu.wait_dma2 semaphore(%arg11 : memref<!tpu.dma_semaphore, #tpu.memory_space<semaphore_mem>>) src(%dma_wait3A_89 : memref<2x12800xi32, #tpu.memory_space<hbm>>) dst(%dma_wait3A_87 : memref<2x12800xi32, #tpu.memory_space<vmem_shared>>)
    %dma_wait3A_90 = tpu.memref_slice %arg3[%multiple_of3A_73] : memref<6400000xf32, #tpu.memory_space<hbm>> -> memref<12800xf32, #tpu.memory_space<hbm>>
    %dma_wait3A_91 = tpu.memref_slice %arg3[%multiple_of3A_73] : memref<6400000xf32, #tpu.memory_space<hbm>> -> memref<12800xf32, #tpu.memory_space<hbm>>
    tpu.wait_dma2 semaphore(%arg11 : memref<!tpu.dma_semaphore, #tpu.memory_space<semaphore_mem>>) src(%dma_wait3A_91 : memref<12800xf32, #tpu.memory_space<hbm>>) dst(%arg8 : memref<12800xf32, #tpu.memory_space<vmem>>)
    %run_scoped3A_92 = arith.constant 0 : i32
    %run_scoped3A_93 = arith.constant 1 : i32
    "tpu.region"() ({
      %run_scoped3A_534 = tpu.sem_alloc : memref<!tpu.dma_semaphore, #tpu.memory_space<semaphore_mem>>
      %dma_start3A_535 = arith.constant 0 : i32
      %dma_start3A_536 = tpu.memref_slice %arg5[%arg1, %run_scoped3A_92, %run_scoped3A_93, %dma_start3A_535] : memref<16x2x2x12800xi32, #tpu.memory_space<vmem_shared>> -> memref<1x1x1x12800xi32, #tpu.memory_space<vmem_shared>>
      %dma_start3A_537 = tpu.memref_squeeze %dma_start3A_536 : memref<1x1x1x12800xi32, #tpu.memory_space<vmem_shared>> -> memref<12800xi32, #tpu.memory_space<vmem_shared>>
      %dma_start3A_538 = arith.constant 0 : i32
      %dma_start3A_539 = tpu.memref_slice %arg5[%arg1, %run_scoped3A_92, %run_scoped3A_93, %dma_start3A_538] : memref<16x2x2x12800xi32, #tpu.memory_space<vmem_shared>> -> memref<1x1x1x12800xi32, #tpu.memory_space<vmem_shared>>
      %dma_start3A_540 = tpu.memref_squeeze %dma_start3A_539 : memref<1x1x1x12800xi32, #tpu.memory_space<vmem_shared>> -> memref<12800xi32, #tpu.memory_space<vmem_shared>>
      tpu.enqueue_dma source(%dma_start3A_540 : memref<12800xi32, #tpu.memory_space<vmem_shared>>) target(%arg6 : memref<12800xi32, #tpu.memory_space<vmem>>) target_semaphore(%run_scoped3A_534 : memref<!tpu.dma_semaphore, #tpu.memory_space<semaphore_mem>>)
      %dma_wait3A_541 = arith.constant 0 : i32
      %dma_wait3A_542 = tpu.memref_slice %arg5[%arg1, %run_scoped3A_92, %run_scoped3A_93, %dma_wait3A_541] : memref<16x2x2x12800xi32, #tpu.memory_space<vmem_shared>> -> memref<1x1x1x12800xi32, #tpu.memory_space<vmem_shared>>
      %dma_wait3A_543 = tpu.memref_squeeze %dma_wait3A_542 : memref<1x1x1x12800xi32, #tpu.memory_space<vmem_shared>> -> memref<12800xi32, #tpu.memory_space<vmem_shared>>
      %dma_wait3A_544 = arith.constant 0 : i32
      %dma_wait3A_545 = tpu.memref_slice %arg5[%arg1, %run_scoped3A_92, %run_scoped3A_93, %dma_wait3A_544] : memref<16x2x2x12800xi32, #tpu.memory_space<vmem_shared>> -> memref<1x1x1x12800xi32, #tpu.memory_space<vmem_shared>>
      %dma_wait3A_546 = tpu.memref_squeeze %dma_wait3A_545 : memref<1x1x1x12800xi32, #tpu.memory_space<vmem_shared>> -> memref<12800xi32, #tpu.memory_space<vmem_shared>>
      tpu.wait_dma2 semaphore(%run_scoped3A_534 : memref<!tpu.dma_semaphore, #tpu.memory_space<semaphore_mem>>) src(%dma_wait3A_546 : memref<12800xi32, #tpu.memory_space<vmem_shared>>) dst(%arg6 : memref<12800xi32, #tpu.memory_space<vmem>>)
      tpu.yield
    }) : () -> ()
    %dma_wait3A_94 = arith.constant 0 : i32
    %dma_wait3A_95 = tpu.memref_slice %arg3[%dma_wait3A_94] : memref<6400000xf32, #tpu.memory_space<hbm>> -> memref<12800xf32, #tpu.memory_space<hbm>>
    %dma_wait3A_96 = arith.constant 0 : i32
    %dma_wait3A_97 = tpu.memref_slice %arg3[%dma_wait3A_96] : memref<6400000xf32, #tpu.memory_space<hbm>> -> memref<12800xf32, #tpu.memory_space<hbm>>
    tpu.wait_dma2 semaphore(%arg12 : memref<!tpu.dma_semaphore, #tpu.memory_space<semaphore_mem>>) src(%dma_wait3A_97 : memref<12800xf32, #tpu.memory_space<hbm>>) dst(%arg9 : memref<12800xf32, #tpu.memory_space<vmem>>)
    %dma_start3A_98 = arith.constant 0 : i32
    %dma_start3A_99 = tpu.memref_slice %arg10[%dma_start3A_98] : memref<100352xf32, #tpu.memory_space<vmem_shared>> -> memref<100352xf32, #tpu.memory_space<vmem_shared>>
    tpu.enqueue_indirect_dma source(%arg8 : memref<12800xf32, #tpu.memory_space<vmem>>) target(%dma_start3A_99 : memref<100352xf32, #tpu.memory_space<vmem_shared>>) offsets(%arg6 : memref<12800xi32, #tpu.memory_space<vmem>>) semaphore(%arg12 : memref<!tpu.dma_semaphore, #tpu.memory_space<semaphore_mem>>) {add = true}
    %mul3A_100 = arith.constant 15 : i32
    %mul3A_101 = arith.muli %add3A, %mul3A_100 : i32
    %add3A_102 = arith.constant 2 : i32
    %add3A_103 = arith.addi %mul3A_101, %add3A_102 : i32
    %add3A_104 = arith.constant 1 : i32
    %add3A_105 = arith.addi %add3A_103, %add3A_104 : i32
    %mul3A_106 = arith.constant 12800 : i32
    %mul3A_107 = arith.muli %add3A_105, %mul3A_106 : i32
    %multiple_of3A_108 = tpu.assume_multiple %mul3A_107, 128 : i32
    %dma_start3A_109 = arith.constant 1 : i32
    %dma_start3A_110 = arith.constant 0 : i32
    %dma_start3A_111 = arith.constant 0 : i32
    %dma_start3A_112 = tpu.memref_slice %arg5[%arg1, %dma_start3A_109, %dma_start3A_110, %dma_start3A_111] : memref<16x2x2x12800xi32, #tpu.memory_space<vmem_shared>> -> memref<1x1x2x12800xi32, #tpu.memory_space<vmem_shared>>
    %dma_start3A_113 = tpu.memref_squeeze %dma_start3A_112 : memref<1x1x2x12800xi32, #tpu.memory_space<vmem_shared>> -> memref<2x12800xi32, #tpu.memory_space<vmem_shared>>
    %dma_start3A_114 = arith.constant 0 : i32
    %dma_start3A_115 = tpu.memref_slice %arg2[%dma_start3A_114, %multiple_of3A_108] : memref<2x6400000xi32, #tpu.memory_space<hbm>> -> memref<2x12800xi32, #tpu.memory_space<hbm>>
    tpu.enqueue_dma source(%dma_start3A_115 : memref<2x12800xi32, #tpu.memory_space<hbm>>) target(%dma_start3A_113 : memref<2x12800xi32, #tpu.memory_space<vmem_shared>>) target_semaphore(%arg11 : memref<!tpu.dma_semaphore, #tpu.memory_space<semaphore_mem>>)
    %dma_start3A_116 = tpu.memref_slice %arg3[%multiple_of3A_108] : memref<6400000xf32, #tpu.memory_space<hbm>> -> memref<12800xf32, #tpu.memory_space<hbm>>
    %dma_start3A_117 = tpu.memref_slice %arg3[%multiple_of3A_108] : memref<6400000xf32, #tpu.memory_space<hbm>> -> memref<12800xf32, #tpu.memory_space<hbm>>
    tpu.enqueue_dma source(%dma_start3A_117 : memref<12800xf32, #tpu.memory_space<hbm>>) target(%arg9 : memref<12800xf32, #tpu.memory_space<vmem>>) target_semaphore(%arg11 : memref<!tpu.dma_semaphore, #tpu.memory_space<semaphore_mem>>)
    %dma_wait3A_118 = arith.constant 1 : i32
    %dma_wait3A_119 = arith.constant 0 : i32
    %dma_wait3A_120 = arith.constant 0 : i32
    %dma_wait3A_121 = tpu.memref_slice %arg5[%arg1, %dma_wait3A_118, %dma_wait3A_119, %dma_wait3A_120] : memref<16x2x2x12800xi32, #tpu.memory_space<vmem_shared>> -> memref<1x1x2x12800xi32, #tpu.memory_space<vmem_shared>>
    %dma_wait3A_122 = tpu.memref_squeeze %dma_wait3A_121 : memref<1x1x2x12800xi32, #tpu.memory_space<vmem_shared>> -> memref<2x12800xi32, #tpu.memory_space<vmem_shared>>
    %dma_wait3A_123 = arith.constant 0 : i32
    %dma_wait3A_124 = tpu.memref_slice %arg2[%dma_wait3A_123, %multiple_of3A_108] : memref<2x6400000xi32, #tpu.memory_space<hbm>> -> memref<2x12800xi32, #tpu.memory_space<hbm>>
    tpu.wait_dma2 semaphore(%arg11 : memref<!tpu.dma_semaphore, #tpu.memory_space<semaphore_mem>>) src(%dma_wait3A_124 : memref<2x12800xi32, #tpu.memory_space<hbm>>) dst(%dma_wait3A_122 : memref<2x12800xi32, #tpu.memory_space<vmem_shared>>)
    %dma_wait3A_125 = tpu.memref_slice %arg3[%multiple_of3A_108] : memref<6400000xf32, #tpu.memory_space<hbm>> -> memref<12800xf32, #tpu.memory_space<hbm>>
    %dma_wait3A_126 = tpu.memref_slice %arg3[%multiple_of3A_108] : memref<6400000xf32, #tpu.memory_space<hbm>> -> memref<12800xf32, #tpu.memory_space<hbm>>
    tpu.wait_dma2 semaphore(%arg11 : memref<!tpu.dma_semaphore, #tpu.memory_space<semaphore_mem>>) src(%dma_wait3A_126 : memref<12800xf32, #tpu.memory_space<hbm>>) dst(%arg9 : memref<12800xf32, #tpu.memory_space<vmem>>)
    %run_scoped3A_127 = arith.constant 1 : i32
    %run_scoped3A_128 = arith.constant 1 : i32
    "tpu.region"() ({
      %run_scoped3A_534 = tpu.sem_alloc : memref<!tpu.dma_semaphore, #tpu.memory_space<semaphore_mem>>
      %dma_start3A_535 = arith.constant 0 : i32
      %dma_start3A_536 = tpu.memref_slice %arg5[%arg1, %run_scoped3A_127, %run_scoped3A_128, %dma_start3A_535] : memref<16x2x2x12800xi32, #tpu.memory_space<vmem_shared>> -> memref<1x1x1x12800xi32, #tpu.memory_space<vmem_shared>>
      %dma_start3A_537 = tpu.memref_squeeze %dma_start3A_536 : memref<1x1x1x12800xi32, #tpu.memory_space<vmem_shared>> -> memref<12800xi32, #tpu.memory_space<vmem_shared>>
      %dma_start3A_538 = arith.constant 0 : i32
      %dma_start3A_539 = tpu.memref_slice %arg5[%arg1, %run_scoped3A_127, %run_scoped3A_128, %dma_start3A_538] : memref<16x2x2x12800xi32, #tpu.memory_space<vmem_shared>> -> memref<1x1x1x12800xi32, #tpu.memory_space<vmem_shared>>
      %dma_start3A_540 = tpu.memref_squeeze %dma_start3A_539 : memref<1x1x1x12800xi32, #tpu.memory_space<vmem_shared>> -> memref<12800xi32, #tpu.memory_space<vmem_shared>>
      tpu.enqueue_dma source(%dma_start3A_540 : memref<12800xi32, #tpu.memory_space<vmem_shared>>) target(%arg7 : memref<12800xi32, #tpu.memory_space<vmem>>) target_semaphore(%run_scoped3A_534 : memref<!tpu.dma_semaphore, #tpu.memory_space<semaphore_mem>>)
      %dma_wait3A_541 = arith.constant 0 : i32
      %dma_wait3A_542 = tpu.memref_slice %arg5[%arg1, %run_scoped3A_127, %run_scoped3A_128, %dma_wait3A_541] : memref<16x2x2x12800xi32, #tpu.memory_space<vmem_shared>> -> memref<1x1x1x12800xi32, #tpu.memory_space<vmem_shared>>
      %dma_wait3A_543 = tpu.memref_squeeze %dma_wait3A_542 : memref<1x1x1x12800xi32, #tpu.memory_space<vmem_shared>> -> memref<12800xi32, #tpu.memory_space<vmem_shared>>
      %dma_wait3A_544 = arith.constant 0 : i32
      %dma_wait3A_545 = tpu.memref_slice %arg5[%arg1, %run_scoped3A_127, %run_scoped3A_128, %dma_wait3A_544] : memref<16x2x2x12800xi32, #tpu.memory_space<vmem_shared>> -> memref<1x1x1x12800xi32, #tpu.memory_space<vmem_shared>>
      %dma_wait3A_546 = tpu.memref_squeeze %dma_wait3A_545 : memref<1x1x1x12800xi32, #tpu.memory_space<vmem_shared>> -> memref<12800xi32, #tpu.memory_space<vmem_shared>>
      tpu.wait_dma2 semaphore(%run_scoped3A_534 : memref<!tpu.dma_semaphore, #tpu.memory_space<semaphore_mem>>) src(%dma_wait3A_546 : memref<12800xi32, #tpu.memory_space<vmem_shared>>) dst(%arg7 : memref<12800xi32, #tpu.memory_space<vmem>>)
      tpu.yield
    }) : () -> ()
    %dma_wait3A_129 = arith.constant 0 : i32
    %dma_wait3A_130 = tpu.memref_slice %arg3[%dma_wait3A_129] : memref<6400000xf32, #tpu.memory_space<hbm>> -> memref<12800xf32, #tpu.memory_space<hbm>>
    %dma_wait3A_131 = arith.constant 0 : i32
    %dma_wait3A_132 = tpu.memref_slice %arg3[%dma_wait3A_131] : memref<6400000xf32, #tpu.memory_space<hbm>> -> memref<12800xf32, #tpu.memory_space<hbm>>
    tpu.wait_dma2 semaphore(%arg12 : memref<!tpu.dma_semaphore, #tpu.memory_space<semaphore_mem>>) src(%dma_wait3A_132 : memref<12800xf32, #tpu.memory_space<hbm>>) dst(%arg8 : memref<12800xf32, #tpu.memory_space<vmem>>)
    %dma_start3A_133 = arith.constant 0 : i32
    %dma_start3A_134 = tpu.memref_slice %arg10[%dma_start3A_133] : memref<100352xf32, #tpu.memory_space<vmem_shared>> -> memref<100352xf32, #tpu.memory_space<vmem_shared>>
    tpu.enqueue_indirect_dma source(%arg9 : memref<12800xf32, #tpu.memory_space<vmem>>) target(%dma_start3A_134 : memref<100352xf32, #tpu.memory_space<vmem_shared>>) offsets(%arg7 : memref<12800xi32, #tpu.memory_space<vmem>>) semaphore(%arg12 : memref<!tpu.dma_semaphore, #tpu.memory_space<semaphore_mem>>) {add = true}
    %mul3A_135 = arith.constant 15 : i32
    %mul3A_136 = arith.muli %add3A, %mul3A_135 : i32
    %add3A_137 = arith.constant 3 : i32
    %add3A_138 = arith.addi %mul3A_136, %add3A_137 : i32
    %add3A_139 = arith.constant 1 : i32
    %add3A_140 = arith.addi %add3A_138, %add3A_139 : i32
    %mul3A_141 = arith.constant 12800 : i32
    %mul3A_142 = arith.muli %add3A_140, %mul3A_141 : i32
    %multiple_of3A_143 = tpu.assume_multiple %mul3A_142, 128 : i32
    %dma_start3A_144 = arith.constant 0 : i32
    %dma_start3A_145 = arith.constant 0 : i32
    %dma_start3A_146 = arith.constant 0 : i32
    %dma_start3A_147 = tpu.memref_slice %arg5[%arg1, %dma_start3A_144, %dma_start3A_145, %dma_start3A_146] : memref<16x2x2x12800xi32, #tpu.memory_space<vmem_shared>> -> memref<1x1x2x12800xi32, #tpu.memory_space<vmem_shared>>
    %dma_start3A_148 = tpu.memref_squeeze %dma_start3A_147 : memref<1x1x2x12800xi32, #tpu.memory_space<vmem_shared>> -> memref<2x12800xi32, #tpu.memory_space<vmem_shared>>
    %dma_start3A_149 = arith.constant 0 : i32
    %dma_start3A_150 = tpu.memref_slice %arg2[%dma_start3A_149, %multiple_of3A_143] : memref<2x6400000xi32, #tpu.memory_space<hbm>> -> memref<2x12800xi32, #tpu.memory_space<hbm>>
    tpu.enqueue_dma source(%dma_start3A_150 : memref<2x12800xi32, #tpu.memory_space<hbm>>) target(%dma_start3A_148 : memref<2x12800xi32, #tpu.memory_space<vmem_shared>>) target_semaphore(%arg11 : memref<!tpu.dma_semaphore, #tpu.memory_space<semaphore_mem>>)
    %dma_start3A_151 = tpu.memref_slice %arg3[%multiple_of3A_143] : memref<6400000xf32, #tpu.memory_space<hbm>> -> memref<12800xf32, #tpu.memory_space<hbm>>
    %dma_start3A_152 = tpu.memref_slice %arg3[%multiple_of3A_143] : memref<6400000xf32, #tpu.memory_space<hbm>> -> memref<12800xf32, #tpu.memory_space<hbm>>
    tpu.enqueue_dma source(%dma_start3A_152 : memref<12800xf32, #tpu.memory_space<hbm>>) target(%arg8 : memref<12800xf32, #tpu.memory_space<vmem>>) target_semaphore(%arg11 : memref<!tpu.dma_semaphore, #tpu.memory_space<semaphore_mem>>)
    %dma_wait3A_153 = arith.constant 0 : i32
    %dma_wait3A_154 = arith.constant 0 : i32
    %dma_wait3A_155 = arith.constant 0 : i32
    %dma_wait3A_156 = tpu.memref_slice %arg5[%arg1, %dma_wait3A_153, %dma_wait3A_154, %dma_wait3A_155] : memref<16x2x2x12800xi32, #tpu.memory_space<vmem_shared>> -> memref<1x1x2x12800xi32, #tpu.memory_space<vmem_shared>>
    %dma_wait3A_157 = tpu.memref_squeeze %dma_wait3A_156 : memref<1x1x2x12800xi32, #tpu.memory_space<vmem_shared>> -> memref<2x12800xi32, #tpu.memory_space<vmem_shared>>
    %dma_wait3A_158 = arith.constant 0 : i32
    %dma_wait3A_159 = tpu.memref_slice %arg2[%dma_wait3A_158, %multiple_of3A_143] : memref<2x6400000xi32, #tpu.memory_space<hbm>> -> memref<2x12800xi32, #tpu.memory_space<hbm>>
    tpu.wait_dma2 semaphore(%arg11 : memref<!tpu.dma_semaphore, #tpu.memory_space<semaphore_mem>>) src(%dma_wait3A_159 : memref<2x12800xi32, #tpu.memory_space<hbm>>) dst(%dma_wait3A_157 : memref<2x12800xi32, #tpu.memory_space<vmem_shared>>)
    %dma_wait3A_160 = tpu.memref_slice %arg3[%multiple_of3A_143] : memref<6400000xf32, #tpu.memory_space<hbm>> -> memref<12800xf32, #tpu.memory_space<hbm>>
    %dma_wait3A_161 = tpu.memref_slice %arg3[%multiple_of3A_143] : memref<6400000xf32, #tpu.memory_space<hbm>> -> memref<12800xf32, #tpu.memory_space<hbm>>
    tpu.wait_dma2 semaphore(%arg11 : memref<!tpu.dma_semaphore, #tpu.memory_space<semaphore_mem>>) src(%dma_wait3A_161 : memref<12800xf32, #tpu.memory_space<hbm>>) dst(%arg8 : memref<12800xf32, #tpu.memory_space<vmem>>)
    %run_scoped3A_162 = arith.constant 0 : i32
    %run_scoped3A_163 = arith.constant 1 : i32
    "tpu.region"() ({
      %run_scoped3A_534 = tpu.sem_alloc : memref<!tpu.dma_semaphore, #tpu.memory_space<semaphore_mem>>
      %dma_start3A_535 = arith.constant 0 : i32
      %dma_start3A_536 = tpu.memref_slice %arg5[%arg1, %run_scoped3A_162, %run_scoped3A_163, %dma_start3A_535] : memref<16x2x2x12800xi32, #tpu.memory_space<vmem_shared>> -> memref<1x1x1x12800xi32, #tpu.memory_space<vmem_shared>>
      %dma_start3A_537 = tpu.memref_squeeze %dma_start3A_536 : memref<1x1x1x12800xi32, #tpu.memory_space<vmem_shared>> -> memref<12800xi32, #tpu.memory_space<vmem_shared>>
      %dma_start3A_538 = arith.constant 0 : i32
      %dma_start3A_539 = tpu.memref_slice %arg5[%arg1, %run_scoped3A_162, %run_scoped3A_163, %dma_start3A_538] : memref<16x2x2x12800xi32, #tpu.memory_space<vmem_shared>> -> memref<1x1x1x12800xi32, #tpu.memory_space<vmem_shared>>
      %dma_start3A_540 = tpu.memref_squeeze %dma_start3A_539 : memref<1x1x1x12800xi32, #tpu.memory_space<vmem_shared>> -> memref<12800xi32, #tpu.memory_space<vmem_shared>>
      tpu.enqueue_dma source(%dma_start3A_540 : memref<12800xi32, #tpu.memory_space<vmem_shared>>) target(%arg6 : memref<12800xi32, #tpu.memory_space<vmem>>) target_semaphore(%run_scoped3A_534 : memref<!tpu.dma_semaphore, #tpu.memory_space<semaphore_mem>>)
      %dma_wait3A_541 = arith.constant 0 : i32
      %dma_wait3A_542 = tpu.memref_slice %arg5[%arg1, %run_scoped3A_162, %run_scoped3A_163, %dma_wait3A_541] : memref<16x2x2x12800xi32, #tpu.memory_space<vmem_shared>> -> memref<1x1x1x12800xi32, #tpu.memory_space<vmem_shared>>
      %dma_wait3A_543 = tpu.memref_squeeze %dma_wait3A_542 : memref<1x1x1x12800xi32, #tpu.memory_space<vmem_shared>> -> memref<12800xi32, #tpu.memory_space<vmem_shared>>
      %dma_wait3A_544 = arith.constant 0 : i32
      %dma_wait3A_545 = tpu.memref_slice %arg5[%arg1, %run_scoped3A_162, %run_scoped3A_163, %dma_wait3A_544] : memref<16x2x2x12800xi32, #tpu.memory_space<vmem_shared>> -> memref<1x1x1x12800xi32, #tpu.memory_space<vmem_shared>>
      %dma_wait3A_546 = tpu.memref_squeeze %dma_wait3A_545 : memref<1x1x1x12800xi32, #tpu.memory_space<vmem_shared>> -> memref<12800xi32, #tpu.memory_space<vmem_shared>>
      tpu.wait_dma2 semaphore(%run_scoped3A_534 : memref<!tpu.dma_semaphore, #tpu.memory_space<semaphore_mem>>) src(%dma_wait3A_546 : memref<12800xi32, #tpu.memory_space<vmem_shared>>) dst(%arg6 : memref<12800xi32, #tpu.memory_space<vmem>>)
      tpu.yield
    }) : () -> ()
    %dma_wait3A_164 = arith.constant 0 : i32
    %dma_wait3A_165 = tpu.memref_slice %arg3[%dma_wait3A_164] : memref<6400000xf32, #tpu.memory_space<hbm>> -> memref<12800xf32, #tpu.memory_space<hbm>>
    %dma_wait3A_166 = arith.constant 0 : i32
    %dma_wait3A_167 = tpu.memref_slice %arg3[%dma_wait3A_166] : memref<6400000xf32, #tpu.memory_space<hbm>> -> memref<12800xf32, #tpu.memory_space<hbm>>
    tpu.wait_dma2 semaphore(%arg12 : memref<!tpu.dma_semaphore, #tpu.memory_space<semaphore_mem>>) src(%dma_wait3A_167 : memref<12800xf32, #tpu.memory_space<hbm>>) dst(%arg9 : memref<12800xf32, #tpu.memory_space<vmem>>)
    %dma_start3A_168 = arith.constant 0 : i32
    %dma_start3A_169 = tpu.memref_slice %arg10[%dma_start3A_168] : memref<100352xf32, #tpu.memory_space<vmem_shared>> -> memref<100352xf32, #tpu.memory_space<vmem_shared>>
    tpu.enqueue_indirect_dma source(%arg8 : memref<12800xf32, #tpu.memory_space<vmem>>) target(%dma_start3A_169 : memref<100352xf32, #tpu.memory_space<vmem_shared>>) offsets(%arg6 : memref<12800xi32, #tpu.memory_space<vmem>>) semaphore(%arg12 : memref<!tpu.dma_semaphore, #tpu.memory_space<semaphore_mem>>) {add = true}
    %mul3A_170 = arith.constant 15 : i32
    %mul3A_171 = arith.muli %add3A, %mul3A_170 : i32
    %add3A_172 = arith.constant 4 : i32
    %add3A_173 = arith.addi %mul3A_171, %add3A_172 : i32
    %add3A_174 = arith.constant 1 : i32
    %add3A_175 = arith.addi %add3A_173, %add3A_174 : i32
    %mul3A_176 = arith.constant 12800 : i32
    %mul3A_177 = arith.muli %add3A_175, %mul3A_176 : i32
    %multiple_of3A_178 = tpu.assume_multiple %mul3A_177, 128 : i32
    %dma_start3A_179 = arith.constant 1 : i32
    %dma_start3A_180 = arith.constant 0 : i32
    %dma_start3A_181 = arith.constant 0 : i32
    %dma_start3A_182 = tpu.memref_slice %arg5[%arg1, %dma_start3A_179, %dma_start3A_180, %dma_start3A_181] : memref<16x2x2x12800xi32, #tpu.memory_space<vmem_shared>> -> memref<1x1x2x12800xi32, #tpu.memory_space<vmem_shared>>
    %dma_start3A_183 = tpu.memref_squeeze %dma_start3A_182 : memref<1x1x2x12800xi32, #tpu.memory_space<vmem_shared>> -> memref<2x12800xi32, #tpu.memory_space<vmem_shared>>
    %dma_start3A_184 = arith.constant 0 : i32
    %dma_start3A_185 = tpu.memref_slice %arg2[%dma_start3A_184, %multiple_of3A_178] : memref<2x6400000xi32, #tpu.memory_space<hbm>> -> memref<2x12800xi32, #tpu.memory_space<hbm>>
    tpu.enqueue_dma source(%dma_start3A_185 : memref<2x12800xi32, #tpu.memory_space<hbm>>) target(%dma_start3A_183 : memref<2x12800xi32, #tpu.memory_space<vmem_shared>>) target_semaphore(%arg11 : memref<!tpu.dma_semaphore, #tpu.memory_space<semaphore_mem>>)
    %dma_start3A_186 = tpu.memref_slice %arg3[%multiple_of3A_178] : memref<6400000xf32, #tpu.memory_space<hbm>> -> memref<12800xf32, #tpu.memory_space<hbm>>
    %dma_start3A_187 = tpu.memref_slice %arg3[%multiple_of3A_178] : memref<6400000xf32, #tpu.memory_space<hbm>> -> memref<12800xf32, #tpu.memory_space<hbm>>
    tpu.enqueue_dma source(%dma_start3A_187 : memref<12800xf32, #tpu.memory_space<hbm>>) target(%arg9 : memref<12800xf32, #tpu.memory_space<vmem>>) target_semaphore(%arg11 : memref<!tpu.dma_semaphore, #tpu.memory_space<semaphore_mem>>)
    %dma_wait3A_188 = arith.constant 1 : i32
    %dma_wait3A_189 = arith.constant 0 : i32
    %dma_wait3A_190 = arith.constant 0 : i32
    %dma_wait3A_191 = tpu.memref_slice %arg5[%arg1, %dma_wait3A_188, %dma_wait3A_189, %dma_wait3A_190] : memref<16x2x2x12800xi32, #tpu.memory_space<vmem_shared>> -> memref<1x1x2x12800xi32, #tpu.memory_space<vmem_shared>>
    %dma_wait3A_192 = tpu.memref_squeeze %dma_wait3A_191 : memref<1x1x2x12800xi32, #tpu.memory_space<vmem_shared>> -> memref<2x12800xi32, #tpu.memory_space<vmem_shared>>
    %dma_wait3A_193 = arith.constant 0 : i32
    %dma_wait3A_194 = tpu.memref_slice %arg2[%dma_wait3A_193, %multiple_of3A_178] : memref<2x6400000xi32, #tpu.memory_space<hbm>> -> memref<2x12800xi32, #tpu.memory_space<hbm>>
    tpu.wait_dma2 semaphore(%arg11 : memref<!tpu.dma_semaphore, #tpu.memory_space<semaphore_mem>>) src(%dma_wait3A_194 : memref<2x12800xi32, #tpu.memory_space<hbm>>) dst(%dma_wait3A_192 : memref<2x12800xi32, #tpu.memory_space<vmem_shared>>)
    %dma_wait3A_195 = tpu.memref_slice %arg3[%multiple_of3A_178] : memref<6400000xf32, #tpu.memory_space<hbm>> -> memref<12800xf32, #tpu.memory_space<hbm>>
    %dma_wait3A_196 = tpu.memref_slice %arg3[%multiple_of3A_178] : memref<6400000xf32, #tpu.memory_space<hbm>> -> memref<12800xf32, #tpu.memory_space<hbm>>
    tpu.wait_dma2 semaphore(%arg11 : memref<!tpu.dma_semaphore, #tpu.memory_space<semaphore_mem>>) src(%dma_wait3A_196 : memref<12800xf32, #tpu.memory_space<hbm>>) dst(%arg9 : memref<12800xf32, #tpu.memory_space<vmem>>)
    %run_scoped3A_197 = arith.constant 1 : i32
    %run_scoped3A_198 = arith.constant 1 : i32
    "tpu.region"() ({
      %run_scoped3A_534 = tpu.sem_alloc : memref<!tpu.dma_semaphore, #tpu.memory_space<semaphore_mem>>
      %dma_start3A_535 = arith.constant 0 : i32
      %dma_start3A_536 = tpu.memref_slice %arg5[%arg1, %run_scoped3A_197, %run_scoped3A_198, %dma_start3A_535] : memref<16x2x2x12800xi32, #tpu.memory_space<vmem_shared>> -> memref<1x1x1x12800xi32, #tpu.memory_space<vmem_shared>>
      %dma_start3A_537 = tpu.memref_squeeze %dma_start3A_536 : memref<1x1x1x12800xi32, #tpu.memory_space<vmem_shared>> -> memref<12800xi32, #tpu.memory_space<vmem_shared>>
      %dma_start3A_538 = arith.constant 0 : i32
      %dma_start3A_539 = tpu.memref_slice %arg5[%arg1, %run_scoped3A_197, %run_scoped3A_198, %dma_start3A_538] : memref<16x2x2x12800xi32, #tpu.memory_space<vmem_shared>> -> memref<1x1x1x12800xi32, #tpu.memory_space<vmem_shared>>
      %dma_start3A_540 = tpu.memref_squeeze %dma_start3A_539 : memref<1x1x1x12800xi32, #tpu.memory_space<vmem_shared>> -> memref<12800xi32, #tpu.memory_space<vmem_shared>>
      tpu.enqueue_dma source(%dma_start3A_540 : memref<12800xi32, #tpu.memory_space<vmem_shared>>) target(%arg7 : memref<12800xi32, #tpu.memory_space<vmem>>) target_semaphore(%run_scoped3A_534 : memref<!tpu.dma_semaphore, #tpu.memory_space<semaphore_mem>>)
      %dma_wait3A_541 = arith.constant 0 : i32
      %dma_wait3A_542 = tpu.memref_slice %arg5[%arg1, %run_scoped3A_197, %run_scoped3A_198, %dma_wait3A_541] : memref<16x2x2x12800xi32, #tpu.memory_space<vmem_shared>> -> memref<1x1x1x12800xi32, #tpu.memory_space<vmem_shared>>
      %dma_wait3A_543 = tpu.memref_squeeze %dma_wait3A_542 : memref<1x1x1x12800xi32, #tpu.memory_space<vmem_shared>> -> memref<12800xi32, #tpu.memory_space<vmem_shared>>
      %dma_wait3A_544 = arith.constant 0 : i32
      %dma_wait3A_545 = tpu.memref_slice %arg5[%arg1, %run_scoped3A_197, %run_scoped3A_198, %dma_wait3A_544] : memref<16x2x2x12800xi32, #tpu.memory_space<vmem_shared>> -> memref<1x1x1x12800xi32, #tpu.memory_space<vmem_shared>>
      %dma_wait3A_546 = tpu.memref_squeeze %dma_wait3A_545 : memref<1x1x1x12800xi32, #tpu.memory_space<vmem_shared>> -> memref<12800xi32, #tpu.memory_space<vmem_shared>>
      tpu.wait_dma2 semaphore(%run_scoped3A_534 : memref<!tpu.dma_semaphore, #tpu.memory_space<semaphore_mem>>) src(%dma_wait3A_546 : memref<12800xi32, #tpu.memory_space<vmem_shared>>) dst(%arg7 : memref<12800xi32, #tpu.memory_space<vmem>>)
      tpu.yield
    }) : () -> ()
    %dma_wait3A_199 = arith.constant 0 : i32
    %dma_wait3A_200 = tpu.memref_slice %arg3[%dma_wait3A_199] : memref<6400000xf32, #tpu.memory_space<hbm>> -> memref<12800xf32, #tpu.memory_space<hbm>>
    %dma_wait3A_201 = arith.constant 0 : i32
    %dma_wait3A_202 = tpu.memref_slice %arg3[%dma_wait3A_201] : memref<6400000xf32, #tpu.memory_space<hbm>> -> memref<12800xf32, #tpu.memory_space<hbm>>
    tpu.wait_dma2 semaphore(%arg12 : memref<!tpu.dma_semaphore, #tpu.memory_space<semaphore_mem>>) src(%dma_wait3A_202 : memref<12800xf32, #tpu.memory_space<hbm>>) dst(%arg8 : memref<12800xf32, #tpu.memory_space<vmem>>)
    %dma_start3A_203 = arith.constant 0 : i32
    %dma_start3A_204 = tpu.memref_slice %arg10[%dma_start3A_203] : memref<100352xf32, #tpu.memory_space<vmem_shared>> -> memref<100352xf32, #tpu.memory_space<vmem_shared>>
    tpu.enqueue_indirect_dma source(%arg9 : memref<12800xf32, #tpu.memory_space<vmem>>) target(%dma_start3A_204 : memref<100352xf32, #tpu.memory_space<vmem_shared>>) offsets(%arg7 : memref<12800xi32, #tpu.memory_space<vmem>>) semaphore(%arg12 : memref<!tpu.dma_semaphore, #tpu.memory_space<semaphore_mem>>) {add = true}
    %mul3A_205 = arith.constant 15 : i32
    %mul3A_206 = arith.muli %add3A, %mul3A_205 : i32
    %add3A_207 = arith.constant 5 : i32
    %add3A_208 = arith.addi %mul3A_206, %add3A_207 : i32
    %add3A_209 = arith.constant 1 : i32
    %add3A_210 = arith.addi %add3A_208, %add3A_209 : i32
    %mul3A_211 = arith.constant 12800 : i32
    %mul3A_212 = arith.muli %add3A_210, %mul3A_211 : i32
    %multiple_of3A_213 = tpu.assume_multiple %mul3A_212, 128 : i32
    %dma_start3A_214 = arith.constant 0 : i32
    %dma_start3A_215 = arith.constant 0 : i32
    %dma_start3A_216 = arith.constant 0 : i32
    %dma_start3A_217 = tpu.memref_slice %arg5[%arg1, %dma_start3A_214, %dma_start3A_215, %dma_start3A_216] : memref<16x2x2x12800xi32, #tpu.memory_space<vmem_shared>> -> memref<1x1x2x12800xi32, #tpu.memory_space<vmem_shared>>
    %dma_start3A_218 = tpu.memref_squeeze %dma_start3A_217 : memref<1x1x2x12800xi32, #tpu.memory_space<vmem_shared>> -> memref<2x12800xi32, #tpu.memory_space<vmem_shared>>
    %dma_start3A_219 = arith.constant 0 : i32
    %dma_start3A_220 = tpu.memref_slice %arg2[%dma_start3A_219, %multiple_of3A_213] : memref<2x6400000xi32, #tpu.memory_space<hbm>> -> memref<2x12800xi32, #tpu.memory_space<hbm>>
    tpu.enqueue_dma source(%dma_start3A_220 : memref<2x12800xi32, #tpu.memory_space<hbm>>) target(%dma_start3A_218 : memref<2x12800xi32, #tpu.memory_space<vmem_shared>>) target_semaphore(%arg11 : memref<!tpu.dma_semaphore, #tpu.memory_space<semaphore_mem>>)
    %dma_start3A_221 = tpu.memref_slice %arg3[%multiple_of3A_213] : memref<6400000xf32, #tpu.memory_space<hbm>> -> memref<12800xf32, #tpu.memory_space<hbm>>
    %dma_start3A_222 = tpu.memref_slice %arg3[%multiple_of3A_213] : memref<6400000xf32, #tpu.memory_space<hbm>> -> memref<12800xf32, #tpu.memory_space<hbm>>
    tpu.enqueue_dma source(%dma_start3A_222 : memref<12800xf32, #tpu.memory_space<hbm>>) target(%arg8 : memref<12800xf32, #tpu.memory_space<vmem>>) target_semaphore(%arg11 : memref<!tpu.dma_semaphore, #tpu.memory_space<semaphore_mem>>)
    %dma_wait3A_223 = arith.constant 0 : i32
    %dma_wait3A_224 = arith.constant 0 : i32
    %dma_wait3A_225 = arith.constant 0 : i32
    %dma_wait3A_226 = tpu.memref_slice %arg5[%arg1, %dma_wait3A_223, %dma_wait3A_224, %dma_wait3A_225] : memref<16x2x2x12800xi32, #tpu.memory_space<vmem_shared>> -> memref<1x1x2x12800xi32, #tpu.memory_space<vmem_shared>>
    %dma_wait3A_227 = tpu.memref_squeeze %dma_wait3A_226 : memref<1x1x2x12800xi32, #tpu.memory_space<vmem_shared>> -> memref<2x12800xi32, #tpu.memory_space<vmem_shared>>
    %dma_wait3A_228 = arith.constant 0 : i32
    %dma_wait3A_229 = tpu.memref_slice %arg2[%dma_wait3A_228, %multiple_of3A_213] : memref<2x6400000xi32, #tpu.memory_space<hbm>> -> memref<2x12800xi32, #tpu.memory_space<hbm>>
    tpu.wait_dma2 semaphore(%arg11 : memref<!tpu.dma_semaphore, #tpu.memory_space<semaphore_mem>>) src(%dma_wait3A_229 : memref<2x12800xi32, #tpu.memory_space<hbm>>) dst(%dma_wait3A_227 : memref<2x12800xi32, #tpu.memory_space<vmem_shared>>)
    %dma_wait3A_230 = tpu.memref_slice %arg3[%multiple_of3A_213] : memref<6400000xf32, #tpu.memory_space<hbm>> -> memref<12800xf32, #tpu.memory_space<hbm>>
    %dma_wait3A_231 = tpu.memref_slice %arg3[%multiple_of3A_213] : memref<6400000xf32, #tpu.memory_space<hbm>> -> memref<12800xf32, #tpu.memory_space<hbm>>
    tpu.wait_dma2 semaphore(%arg11 : memref<!tpu.dma_semaphore, #tpu.memory_space<semaphore_mem>>) src(%dma_wait3A_231 : memref<12800xf32, #tpu.memory_space<hbm>>) dst(%arg8 : memref<12800xf32, #tpu.memory_space<vmem>>)
    %run_scoped3A_232 = arith.constant 0 : i32
    %run_scoped3A_233 = arith.constant 1 : i32
    "tpu.region"() ({
      %run_scoped3A_534 = tpu.sem_alloc : memref<!tpu.dma_semaphore, #tpu.memory_space<semaphore_mem>>
      %dma_start3A_535 = arith.constant 0 : i32
      %dma_start3A_536 = tpu.memref_slice %arg5[%arg1, %run_scoped3A_232, %run_scoped3A_233, %dma_start3A_535] : memref<16x2x2x12800xi32, #tpu.memory_space<vmem_shared>> -> memref<1x1x1x12800xi32, #tpu.memory_space<vmem_shared>>
      %dma_start3A_537 = tpu.memref_squeeze %dma_start3A_536 : memref<1x1x1x12800xi32, #tpu.memory_space<vmem_shared>> -> memref<12800xi32, #tpu.memory_space<vmem_shared>>
      %dma_start3A_538 = arith.constant 0 : i32
      %dma_start3A_539 = tpu.memref_slice %arg5[%arg1, %run_scoped3A_232, %run_scoped3A_233, %dma_start3A_538] : memref<16x2x2x12800xi32, #tpu.memory_space<vmem_shared>> -> memref<1x1x1x12800xi32, #tpu.memory_space<vmem_shared>>
      %dma_start3A_540 = tpu.memref_squeeze %dma_start3A_539 : memref<1x1x1x12800xi32, #tpu.memory_space<vmem_shared>> -> memref<12800xi32, #tpu.memory_space<vmem_shared>>
      tpu.enqueue_dma source(%dma_start3A_540 : memref<12800xi32, #tpu.memory_space<vmem_shared>>) target(%arg6 : memref<12800xi32, #tpu.memory_space<vmem>>) target_semaphore(%run_scoped3A_534 : memref<!tpu.dma_semaphore, #tpu.memory_space<semaphore_mem>>)
      %dma_wait3A_541 = arith.constant 0 : i32
      %dma_wait3A_542 = tpu.memref_slice %arg5[%arg1, %run_scoped3A_232, %run_scoped3A_233, %dma_wait3A_541] : memref<16x2x2x12800xi32, #tpu.memory_space<vmem_shared>> -> memref<1x1x1x12800xi32, #tpu.memory_space<vmem_shared>>
      %dma_wait3A_543 = tpu.memref_squeeze %dma_wait3A_542 : memref<1x1x1x12800xi32, #tpu.memory_space<vmem_shared>> -> memref<12800xi32, #tpu.memory_space<vmem_shared>>
      %dma_wait3A_544 = arith.constant 0 : i32
      %dma_wait3A_545 = tpu.memref_slice %arg5[%arg1, %run_scoped3A_232, %run_scoped3A_233, %dma_wait3A_544] : memref<16x2x2x12800xi32, #tpu.memory_space<vmem_shared>> -> memref<1x1x1x12800xi32, #tpu.memory_space<vmem_shared>>
      %dma_wait3A_546 = tpu.memref_squeeze %dma_wait3A_545 : memref<1x1x1x12800xi32, #tpu.memory_space<vmem_shared>> -> memref<12800xi32, #tpu.memory_space<vmem_shared>>
      tpu.wait_dma2 semaphore(%run_scoped3A_534 : memref<!tpu.dma_semaphore, #tpu.memory_space<semaphore_mem>>) src(%dma_wait3A_546 : memref<12800xi32, #tpu.memory_space<vmem_shared>>) dst(%arg6 : memref<12800xi32, #tpu.memory_space<vmem>>)
      tpu.yield
    }) : () -> ()
    %dma_wait3A_234 = arith.constant 0 : i32
    %dma_wait3A_235 = tpu.memref_slice %arg3[%dma_wait3A_234] : memref<6400000xf32, #tpu.memory_space<hbm>> -> memref<12800xf32, #tpu.memory_space<hbm>>
    %dma_wait3A_236 = arith.constant 0 : i32
    %dma_wait3A_237 = tpu.memref_slice %arg3[%dma_wait3A_236] : memref<6400000xf32, #tpu.memory_space<hbm>> -> memref<12800xf32, #tpu.memory_space<hbm>>
    tpu.wait_dma2 semaphore(%arg12 : memref<!tpu.dma_semaphore, #tpu.memory_space<semaphore_mem>>) src(%dma_wait3A_237 : memref<12800xf32, #tpu.memory_space<hbm>>) dst(%arg9 : memref<12800xf32, #tpu.memory_space<vmem>>)
    %dma_start3A_238 = arith.constant 0 : i32
    %dma_start3A_239 = tpu.memref_slice %arg10[%dma_start3A_238] : memref<100352xf32, #tpu.memory_space<vmem_shared>> -> memref<100352xf32, #tpu.memory_space<vmem_shared>>
    tpu.enqueue_indirect_dma source(%arg8 : memref<12800xf32, #tpu.memory_space<vmem>>) target(%dma_start3A_239 : memref<100352xf32, #tpu.memory_space<vmem_shared>>) offsets(%arg6 : memref<12800xi32, #tpu.memory_space<vmem>>) semaphore(%arg12 : memref<!tpu.dma_semaphore, #tpu.memory_space<semaphore_mem>>) {add = true}
    %mul3A_240 = arith.constant 15 : i32
    %mul3A_241 = arith.muli %add3A, %mul3A_240 : i32
    %add3A_242 = arith.constant 6 : i32
    %add3A_243 = arith.addi %mul3A_241, %add3A_242 : i32
    %add3A_244 = arith.constant 1 : i32
    %add3A_245 = arith.addi %add3A_243, %add3A_244 : i32
    %mul3A_246 = arith.constant 12800 : i32
    %mul3A_247 = arith.muli %add3A_245, %mul3A_246 : i32
    %multiple_of3A_248 = tpu.assume_multiple %mul3A_247, 128 : i32
    %dma_start3A_249 = arith.constant 1 : i32
    %dma_start3A_250 = arith.constant 0 : i32
    %dma_start3A_251 = arith.constant 0 : i32
    %dma_start3A_252 = tpu.memref_slice %arg5[%arg1, %dma_start3A_249, %dma_start3A_250, %dma_start3A_251] : memref<16x2x2x12800xi32, #tpu.memory_space<vmem_shared>> -> memref<1x1x2x12800xi32, #tpu.memory_space<vmem_shared>>
    %dma_start3A_253 = tpu.memref_squeeze %dma_start3A_252 : memref<1x1x2x12800xi32, #tpu.memory_space<vmem_shared>> -> memref<2x12800xi32, #tpu.memory_space<vmem_shared>>
    %dma_start3A_254 = arith.constant 0 : i32
    %dma_start3A_255 = tpu.memref_slice %arg2[%dma_start3A_254, %multiple_of3A_248] : memref<2x6400000xi32, #tpu.memory_space<hbm>> -> memref<2x12800xi32, #tpu.memory_space<hbm>>
    tpu.enqueue_dma source(%dma_start3A_255 : memref<2x12800xi32, #tpu.memory_space<hbm>>) target(%dma_start3A_253 : memref<2x12800xi32, #tpu.memory_space<vmem_shared>>) target_semaphore(%arg11 : memref<!tpu.dma_semaphore, #tpu.memory_space<semaphore_mem>>)
    %dma_start3A_256 = tpu.memref_slice %arg3[%multiple_of3A_248] : memref<6400000xf32, #tpu.memory_space<hbm>> -> memref<12800xf32, #tpu.memory_space<hbm>>
    %dma_start3A_257 = tpu.memref_slice %arg3[%multiple_of3A_248] : memref<6400000xf32, #tpu.memory_space<hbm>> -> memref<12800xf32, #tpu.memory_space<hbm>>
    tpu.enqueue_dma source(%dma_start3A_257 : memref<12800xf32, #tpu.memory_space<hbm>>) target(%arg9 : memref<12800xf32, #tpu.memory_space<vmem>>) target_semaphore(%arg11 : memref<!tpu.dma_semaphore, #tpu.memory_space<semaphore_mem>>)
    %dma_wait3A_258 = arith.constant 1 : i32
    %dma_wait3A_259 = arith.constant 0 : i32
    %dma_wait3A_260 = arith.constant 0 : i32
    %dma_wait3A_261 = tpu.memref_slice %arg5[%arg1, %dma_wait3A_258, %dma_wait3A_259, %dma_wait3A_260] : memref<16x2x2x12800xi32, #tpu.memory_space<vmem_shared>> -> memref<1x1x2x12800xi32, #tpu.memory_space<vmem_shared>>
    %dma_wait3A_262 = tpu.memref_squeeze %dma_wait3A_261 : memref<1x1x2x12800xi32, #tpu.memory_space<vmem_shared>> -> memref<2x12800xi32, #tpu.memory_space<vmem_shared>>
    %dma_wait3A_263 = arith.constant 0 : i32
    %dma_wait3A_264 = tpu.memref_slice %arg2[%dma_wait3A_263, %multiple_of3A_248] : memref<2x6400000xi32, #tpu.memory_space<hbm>> -> memref<2x12800xi32, #tpu.memory_space<hbm>>
    tpu.wait_dma2 semaphore(%arg11 : memref<!tpu.dma_semaphore, #tpu.memory_space<semaphore_mem>>) src(%dma_wait3A_264 : memref<2x12800xi32, #tpu.memory_space<hbm>>) dst(%dma_wait3A_262 : memref<2x12800xi32, #tpu.memory_space<vmem_shared>>)
    %dma_wait3A_265 = tpu.memref_slice %arg3[%multiple_of3A_248] : memref<6400000xf32, #tpu.memory_space<hbm>> -> memref<12800xf32, #tpu.memory_space<hbm>>
    %dma_wait3A_266 = tpu.memref_slice %arg3[%multiple_of3A_248] : memref<6400000xf32, #tpu.memory_space<hbm>> -> memref<12800xf32, #tpu.memory_space<hbm>>
    tpu.wait_dma2 semaphore(%arg11 : memref<!tpu.dma_semaphore, #tpu.memory_space<semaphore_mem>>) src(%dma_wait3A_266 : memref<12800xf32, #tpu.memory_space<hbm>>) dst(%arg9 : memref<12800xf32, #tpu.memory_space<vmem>>)
    %run_scoped3A_267 = arith.constant 1 : i32
    %run_scoped3A_268 = arith.constant 1 : i32
    "tpu.region"() ({
      %run_scoped3A_534 = tpu.sem_alloc : memref<!tpu.dma_semaphore, #tpu.memory_space<semaphore_mem>>
      %dma_start3A_535 = arith.constant 0 : i32
      %dma_start3A_536 = tpu.memref_slice %arg5[%arg1, %run_scoped3A_267, %run_scoped3A_268, %dma_start3A_535] : memref<16x2x2x12800xi32, #tpu.memory_space<vmem_shared>> -> memref<1x1x1x12800xi32, #tpu.memory_space<vmem_shared>>
      %dma_start3A_537 = tpu.memref_squeeze %dma_start3A_536 : memref<1x1x1x12800xi32, #tpu.memory_space<vmem_shared>> -> memref<12800xi32, #tpu.memory_space<vmem_shared>>
      %dma_start3A_538 = arith.constant 0 : i32
      %dma_start3A_539 = tpu.memref_slice %arg5[%arg1, %run_scoped3A_267, %run_scoped3A_268, %dma_start3A_538] : memref<16x2x2x12800xi32, #tpu.memory_space<vmem_shared>> -> memref<1x1x1x12800xi32, #tpu.memory_space<vmem_shared>>
      %dma_start3A_540 = tpu.memref_squeeze %dma_start3A_539 : memref<1x1x1x12800xi32, #tpu.memory_space<vmem_shared>> -> memref<12800xi32, #tpu.memory_space<vmem_shared>>
      tpu.enqueue_dma source(%dma_start3A_540 : memref<12800xi32, #tpu.memory_space<vmem_shared>>) target(%arg7 : memref<12800xi32, #tpu.memory_space<vmem>>) target_semaphore(%run_scoped3A_534 : memref<!tpu.dma_semaphore, #tpu.memory_space<semaphore_mem>>)
      %dma_wait3A_541 = arith.constant 0 : i32
      %dma_wait3A_542 = tpu.memref_slice %arg5[%arg1, %run_scoped3A_267, %run_scoped3A_268, %dma_wait3A_541] : memref<16x2x2x12800xi32, #tpu.memory_space<vmem_shared>> -> memref<1x1x1x12800xi32, #tpu.memory_space<vmem_shared>>
      %dma_wait3A_543 = tpu.memref_squeeze %dma_wait3A_542 : memref<1x1x1x12800xi32, #tpu.memory_space<vmem_shared>> -> memref<12800xi32, #tpu.memory_space<vmem_shared>>
      %dma_wait3A_544 = arith.constant 0 : i32
      %dma_wait3A_545 = tpu.memref_slice %arg5[%arg1, %run_scoped3A_267, %run_scoped3A_268, %dma_wait3A_544] : memref<16x2x2x12800xi32, #tpu.memory_space<vmem_shared>> -> memref<1x1x1x12800xi32, #tpu.memory_space<vmem_shared>>
      %dma_wait3A_546 = tpu.memref_squeeze %dma_wait3A_545 : memref<1x1x1x12800xi32, #tpu.memory_space<vmem_shared>> -> memref<12800xi32, #tpu.memory_space<vmem_shared>>
      tpu.wait_dma2 semaphore(%run_scoped3A_534 : memref<!tpu.dma_semaphore, #tpu.memory_space<semaphore_mem>>) src(%dma_wait3A_546 : memref<12800xi32, #tpu.memory_space<vmem_shared>>) dst(%arg7 : memref<12800xi32, #tpu.memory_space<vmem>>)
      tpu.yield
    }) : () -> ()
    %dma_wait3A_269 = arith.constant 0 : i32
    %dma_wait3A_270 = tpu.memref_slice %arg3[%dma_wait3A_269] : memref<6400000xf32, #tpu.memory_space<hbm>> -> memref<12800xf32, #tpu.memory_space<hbm>>
    %dma_wait3A_271 = arith.constant 0 : i32
    %dma_wait3A_272 = tpu.memref_slice %arg3[%dma_wait3A_271] : memref<6400000xf32, #tpu.memory_space<hbm>> -> memref<12800xf32, #tpu.memory_space<hbm>>
    tpu.wait_dma2 semaphore(%arg12 : memref<!tpu.dma_semaphore, #tpu.memory_space<semaphore_mem>>) src(%dma_wait3A_272 : memref<12800xf32, #tpu.memory_space<hbm>>) dst(%arg8 : memref<12800xf32, #tpu.memory_space<vmem>>)
    %dma_start3A_273 = arith.constant 0 : i32
    %dma_start3A_274 = tpu.memref_slice %arg10[%dma_start3A_273] : memref<100352xf32, #tpu.memory_space<vmem_shared>> -> memref<100352xf32, #tpu.memory_space<vmem_shared>>
    tpu.enqueue_indirect_dma source(%arg9 : memref<12800xf32, #tpu.memory_space<vmem>>) target(%dma_start3A_274 : memref<100352xf32, #tpu.memory_space<vmem_shared>>) offsets(%arg7 : memref<12800xi32, #tpu.memory_space<vmem>>) semaphore(%arg12 : memref<!tpu.dma_semaphore, #tpu.memory_space<semaphore_mem>>) {add = true}
    %mul3A_275 = arith.constant 15 : i32
    %mul3A_276 = arith.muli %add3A, %mul3A_275 : i32
    %add3A_277 = arith.constant 7 : i32
    %add3A_278 = arith.addi %mul3A_276, %add3A_277 : i32
    %add3A_279 = arith.constant 1 : i32
    %add3A_280 = arith.addi %add3A_278, %add3A_279 : i32
    %mul3A_281 = arith.constant 12800 : i32
    %mul3A_282 = arith.muli %add3A_280, %mul3A_281 : i32
    %multiple_of3A_283 = tpu.assume_multiple %mul3A_282, 128 : i32
    %dma_start3A_284 = arith.constant 0 : i32
    %dma_start3A_285 = arith.constant 0 : i32
    %dma_start3A_286 = arith.constant 0 : i32
    %dma_start3A_287 = tpu.memref_slice %arg5[%arg1, %dma_start3A_284, %dma_start3A_285, %dma_start3A_286] : memref<16x2x2x12800xi32, #tpu.memory_space<vmem_shared>> -> memref<1x1x2x12800xi32, #tpu.memory_space<vmem_shared>>
    %dma_start3A_288 = tpu.memref_squeeze %dma_start3A_287 : memref<1x1x2x12800xi32, #tpu.memory_space<vmem_shared>> -> memref<2x12800xi32, #tpu.memory_space<vmem_shared>>
    %dma_start3A_289 = arith.constant 0 : i32
    %dma_start3A_290 = tpu.memref_slice %arg2[%dma_start3A_289, %multiple_of3A_283] : memref<2x6400000xi32, #tpu.memory_space<hbm>> -> memref<2x12800xi32, #tpu.memory_space<hbm>>
    tpu.enqueue_dma source(%dma_start3A_290 : memref<2x12800xi32, #tpu.memory_space<hbm>>) target(%dma_start3A_288 : memref<2x12800xi32, #tpu.memory_space<vmem_shared>>) target_semaphore(%arg11 : memref<!tpu.dma_semaphore, #tpu.memory_space<semaphore_mem>>)
    %dma_start3A_291 = tpu.memref_slice %arg3[%multiple_of3A_283] : memref<6400000xf32, #tpu.memory_space<hbm>> -> memref<12800xf32, #tpu.memory_space<hbm>>
    %dma_start3A_292 = tpu.memref_slice %arg3[%multiple_of3A_283] : memref<6400000xf32, #tpu.memory_space<hbm>> -> memref<12800xf32, #tpu.memory_space<hbm>>
    tpu.enqueue_dma source(%dma_start3A_292 : memref<12800xf32, #tpu.memory_space<hbm>>) target(%arg8 : memref<12800xf32, #tpu.memory_space<vmem>>) target_semaphore(%arg11 : memref<!tpu.dma_semaphore, #tpu.memory_space<semaphore_mem>>)
    %dma_wait3A_293 = arith.constant 0 : i32
    %dma_wait3A_294 = arith.constant 0 : i32
    %dma_wait3A_295 = arith.constant 0 : i32
    %dma_wait3A_296 = tpu.memref_slice %arg5[%arg1, %dma_wait3A_293, %dma_wait3A_294, %dma_wait3A_295] : memref<16x2x2x12800xi32, #tpu.memory_space<vmem_shared>> -> memref<1x1x2x12800xi32, #tpu.memory_space<vmem_shared>>
    %dma_wait3A_297 = tpu.memref_squeeze %dma_wait3A_296 : memref<1x1x2x12800xi32, #tpu.memory_space<vmem_shared>> -> memref<2x12800xi32, #tpu.memory_space<vmem_shared>>
    %dma_wait3A_298 = arith.constant 0 : i32
    %dma_wait3A_299 = tpu.memref_slice %arg2[%dma_wait3A_298, %multiple_of3A_283] : memref<2x6400000xi32, #tpu.memory_space<hbm>> -> memref<2x12800xi32, #tpu.memory_space<hbm>>
    tpu.wait_dma2 semaphore(%arg11 : memref<!tpu.dma_semaphore, #tpu.memory_space<semaphore_mem>>) src(%dma_wait3A_299 : memref<2x12800xi32, #tpu.memory_space<hbm>>) dst(%dma_wait3A_297 : memref<2x12800xi32, #tpu.memory_space<vmem_shared>>)
    %dma_wait3A_300 = tpu.memref_slice %arg3[%multiple_of3A_283] : memref<6400000xf32, #tpu.memory_space<hbm>> -> memref<12800xf32, #tpu.memory_space<hbm>>
    %dma_wait3A_301 = tpu.memref_slice %arg3[%multiple_of3A_283] : memref<6400000xf32, #tpu.memory_space<hbm>> -> memref<12800xf32, #tpu.memory_space<hbm>>
    tpu.wait_dma2 semaphore(%arg11 : memref<!tpu.dma_semaphore, #tpu.memory_space<semaphore_mem>>) src(%dma_wait3A_301 : memref<12800xf32, #tpu.memory_space<hbm>>) dst(%arg8 : memref<12800xf32, #tpu.memory_space<vmem>>)
    %run_scoped3A_302 = arith.constant 0 : i32
    %run_scoped3A_303 = arith.constant 1 : i32
    "tpu.region"() ({
      %run_scoped3A_534 = tpu.sem_alloc : memref<!tpu.dma_semaphore, #tpu.memory_space<semaphore_mem>>
      %dma_start3A_535 = arith.constant 0 : i32
      %dma_start3A_536 = tpu.memref_slice %arg5[%arg1, %run_scoped3A_302, %run_scoped3A_303, %dma_start3A_535] : memref<16x2x2x12800xi32, #tpu.memory_space<vmem_shared>> -> memref<1x1x1x12800xi32, #tpu.memory_space<vmem_shared>>
      %dma_start3A_537 = tpu.memref_squeeze %dma_start3A_536 : memref<1x1x1x12800xi32, #tpu.memory_space<vmem_shared>> -> memref<12800xi32, #tpu.memory_space<vmem_shared>>
      %dma_start3A_538 = arith.constant 0 : i32
      %dma_start3A_539 = tpu.memref_slice %arg5[%arg1, %run_scoped3A_302, %run_scoped3A_303, %dma_start3A_538] : memref<16x2x2x12800xi32, #tpu.memory_space<vmem_shared>> -> memref<1x1x1x12800xi32, #tpu.memory_space<vmem_shared>>
      %dma_start3A_540 = tpu.memref_squeeze %dma_start3A_539 : memref<1x1x1x12800xi32, #tpu.memory_space<vmem_shared>> -> memref<12800xi32, #tpu.memory_space<vmem_shared>>
      tpu.enqueue_dma source(%dma_start3A_540 : memref<12800xi32, #tpu.memory_space<vmem_shared>>) target(%arg6 : memref<12800xi32, #tpu.memory_space<vmem>>) target_semaphore(%run_scoped3A_534 : memref<!tpu.dma_semaphore, #tpu.memory_space<semaphore_mem>>)
      %dma_wait3A_541 = arith.constant 0 : i32
      %dma_wait3A_542 = tpu.memref_slice %arg5[%arg1, %run_scoped3A_302, %run_scoped3A_303, %dma_wait3A_541] : memref<16x2x2x12800xi32, #tpu.memory_space<vmem_shared>> -> memref<1x1x1x12800xi32, #tpu.memory_space<vmem_shared>>
      %dma_wait3A_543 = tpu.memref_squeeze %dma_wait3A_542 : memref<1x1x1x12800xi32, #tpu.memory_space<vmem_shared>> -> memref<12800xi32, #tpu.memory_space<vmem_shared>>
      %dma_wait3A_544 = arith.constant 0 : i32
      %dma_wait3A_545 = tpu.memref_slice %arg5[%arg1, %run_scoped3A_302, %run_scoped3A_303, %dma_wait3A_544] : memref<16x2x2x12800xi32, #tpu.memory_space<vmem_shared>> -> memref<1x1x1x12800xi32, #tpu.memory_space<vmem_shared>>
      %dma_wait3A_546 = tpu.memref_squeeze %dma_wait3A_545 : memref<1x1x1x12800xi32, #tpu.memory_space<vmem_shared>> -> memref<12800xi32, #tpu.memory_space<vmem_shared>>
      tpu.wait_dma2 semaphore(%run_scoped3A_534 : memref<!tpu.dma_semaphore, #tpu.memory_space<semaphore_mem>>) src(%dma_wait3A_546 : memref<12800xi32, #tpu.memory_space<vmem_shared>>) dst(%arg6 : memref<12800xi32, #tpu.memory_space<vmem>>)
      tpu.yield
    }) : () -> ()
    %dma_wait3A_304 = arith.constant 0 : i32
    %dma_wait3A_305 = tpu.memref_slice %arg3[%dma_wait3A_304] : memref<6400000xf32, #tpu.memory_space<hbm>> -> memref<12800xf32, #tpu.memory_space<hbm>>
    %dma_wait3A_306 = arith.constant 0 : i32
    %dma_wait3A_307 = tpu.memref_slice %arg3[%dma_wait3A_306] : memref<6400000xf32, #tpu.memory_space<hbm>> -> memref<12800xf32, #tpu.memory_space<hbm>>
    tpu.wait_dma2 semaphore(%arg12 : memref<!tpu.dma_semaphore, #tpu.memory_space<semaphore_mem>>) src(%dma_wait3A_307 : memref<12800xf32, #tpu.memory_space<hbm>>) dst(%arg9 : memref<12800xf32, #tpu.memory_space<vmem>>)
    %dma_start3A_308 = arith.constant 0 : i32
    %dma_start3A_309 = tpu.memref_slice %arg10[%dma_start3A_308] : memref<100352xf32, #tpu.memory_space<vmem_shared>> -> memref<100352xf32, #tpu.memory_space<vmem_shared>>
    tpu.enqueue_indirect_dma source(%arg8 : memref<12800xf32, #tpu.memory_space<vmem>>) target(%dma_start3A_309 : memref<100352xf32, #tpu.memory_space<vmem_shared>>) offsets(%arg6 : memref<12800xi32, #tpu.memory_space<vmem>>) semaphore(%arg12 : memref<!tpu.dma_semaphore, #tpu.memory_space<semaphore_mem>>) {add = true}
    %mul3A_310 = arith.constant 15 : i32
    %mul3A_311 = arith.muli %add3A, %mul3A_310 : i32
    %add3A_312 = arith.constant 8 : i32
    %add3A_313 = arith.addi %mul3A_311, %add3A_312 : i32
    %add3A_314 = arith.constant 1 : i32
    %add3A_315 = arith.addi %add3A_313, %add3A_314 : i32
    %mul3A_316 = arith.constant 12800 : i32
    %mul3A_317 = arith.muli %add3A_315, %mul3A_316 : i32
    %multiple_of3A_318 = tpu.assume_multiple %mul3A_317, 128 : i32
    %dma_start3A_319 = arith.constant 1 : i32
    %dma_start3A_320 = arith.constant 0 : i32
    %dma_start3A_321 = arith.constant 0 : i32
    %dma_start3A_322 = tpu.memref_slice %arg5[%arg1, %dma_start3A_319, %dma_start3A_320, %dma_start3A_321] : memref<16x2x2x12800xi32, #tpu.memory_space<vmem_shared>> -> memref<1x1x2x12800xi32, #tpu.memory_space<vmem_shared>>
    %dma_start3A_323 = tpu.memref_squeeze %dma_start3A_322 : memref<1x1x2x12800xi32, #tpu.memory_space<vmem_shared>> -> memref<2x12800xi32, #tpu.memory_space<vmem_shared>>
    %dma_start3A_324 = arith.constant 0 : i32
    %dma_start3A_325 = tpu.memref_slice %arg2[%dma_start3A_324, %multiple_of3A_318] : memref<2x6400000xi32, #tpu.memory_space<hbm>> -> memref<2x12800xi32, #tpu.memory_space<hbm>>
    tpu.enqueue_dma source(%dma_start3A_325 : memref<2x12800xi32, #tpu.memory_space<hbm>>) target(%dma_start3A_323 : memref<2x12800xi32, #tpu.memory_space<vmem_shared>>) target_semaphore(%arg11 : memref<!tpu.dma_semaphore, #tpu.memory_space<semaphore_mem>>)
    %dma_start3A_326 = tpu.memref_slice %arg3[%multiple_of3A_318] : memref<6400000xf32, #tpu.memory_space<hbm>> -> memref<12800xf32, #tpu.memory_space<hbm>>
    %dma_start3A_327 = tpu.memref_slice %arg3[%multiple_of3A_318] : memref<6400000xf32, #tpu.memory_space<hbm>> -> memref<12800xf32, #tpu.memory_space<hbm>>
    tpu.enqueue_dma source(%dma_start3A_327 : memref<12800xf32, #tpu.memory_space<hbm>>) target(%arg9 : memref<12800xf32, #tpu.memory_space<vmem>>) target_semaphore(%arg11 : memref<!tpu.dma_semaphore, #tpu.memory_space<semaphore_mem>>)
    %dma_wait3A_328 = arith.constant 1 : i32
    %dma_wait3A_329 = arith.constant 0 : i32
    %dma_wait3A_330 = arith.constant 0 : i32
    %dma_wait3A_331 = tpu.memref_slice %arg5[%arg1, %dma_wait3A_328, %dma_wait3A_329, %dma_wait3A_330] : memref<16x2x2x12800xi32, #tpu.memory_space<vmem_shared>> -> memref<1x1x2x12800xi32, #tpu.memory_space<vmem_shared>>
    %dma_wait3A_332 = tpu.memref_squeeze %dma_wait3A_331 : memref<1x1x2x12800xi32, #tpu.memory_space<vmem_shared>> -> memref<2x12800xi32, #tpu.memory_space<vmem_shared>>
    %dma_wait3A_333 = arith.constant 0 : i32
    %dma_wait3A_334 = tpu.memref_slice %arg2[%dma_wait3A_333, %multiple_of3A_318] : memref<2x6400000xi32, #tpu.memory_space<hbm>> -> memref<2x12800xi32, #tpu.memory_space<hbm>>
    tpu.wait_dma2 semaphore(%arg11 : memref<!tpu.dma_semaphore, #tpu.memory_space<semaphore_mem>>) src(%dma_wait3A_334 : memref<2x12800xi32, #tpu.memory_space<hbm>>) dst(%dma_wait3A_332 : memref<2x12800xi32, #tpu.memory_space<vmem_shared>>)
    %dma_wait3A_335 = tpu.memref_slice %arg3[%multiple_of3A_318] : memref<6400000xf32, #tpu.memory_space<hbm>> -> memref<12800xf32, #tpu.memory_space<hbm>>
    %dma_wait3A_336 = tpu.memref_slice %arg3[%multiple_of3A_318] : memref<6400000xf32, #tpu.memory_space<hbm>> -> memref<12800xf32, #tpu.memory_space<hbm>>
    tpu.wait_dma2 semaphore(%arg11 : memref<!tpu.dma_semaphore, #tpu.memory_space<semaphore_mem>>) src(%dma_wait3A_336 : memref<12800xf32, #tpu.memory_space<hbm>>) dst(%arg9 : memref<12800xf32, #tpu.memory_space<vmem>>)
    %run_scoped3A_337 = arith.constant 1 : i32
    %run_scoped3A_338 = arith.constant 1 : i32
    "tpu.region"() ({
      %run_scoped3A_534 = tpu.sem_alloc : memref<!tpu.dma_semaphore, #tpu.memory_space<semaphore_mem>>
      %dma_start3A_535 = arith.constant 0 : i32
      %dma_start3A_536 = tpu.memref_slice %arg5[%arg1, %run_scoped3A_337, %run_scoped3A_338, %dma_start3A_535] : memref<16x2x2x12800xi32, #tpu.memory_space<vmem_shared>> -> memref<1x1x1x12800xi32, #tpu.memory_space<vmem_shared>>
      %dma_start3A_537 = tpu.memref_squeeze %dma_start3A_536 : memref<1x1x1x12800xi32, #tpu.memory_space<vmem_shared>> -> memref<12800xi32, #tpu.memory_space<vmem_shared>>
      %dma_start3A_538 = arith.constant 0 : i32
      %dma_start3A_539 = tpu.memref_slice %arg5[%arg1, %run_scoped3A_337, %run_scoped3A_338, %dma_start3A_538] : memref<16x2x2x12800xi32, #tpu.memory_space<vmem_shared>> -> memref<1x1x1x12800xi32, #tpu.memory_space<vmem_shared>>
      %dma_start3A_540 = tpu.memref_squeeze %dma_start3A_539 : memref<1x1x1x12800xi32, #tpu.memory_space<vmem_shared>> -> memref<12800xi32, #tpu.memory_space<vmem_shared>>
      tpu.enqueue_dma source(%dma_start3A_540 : memref<12800xi32, #tpu.memory_space<vmem_shared>>) target(%arg7 : memref<12800xi32, #tpu.memory_space<vmem>>) target_semaphore(%run_scoped3A_534 : memref<!tpu.dma_semaphore, #tpu.memory_space<semaphore_mem>>)
      %dma_wait3A_541 = arith.constant 0 : i32
      %dma_wait3A_542 = tpu.memref_slice %arg5[%arg1, %run_scoped3A_337, %run_scoped3A_338, %dma_wait3A_541] : memref<16x2x2x12800xi32, #tpu.memory_space<vmem_shared>> -> memref<1x1x1x12800xi32, #tpu.memory_space<vmem_shared>>
      %dma_wait3A_543 = tpu.memref_squeeze %dma_wait3A_542 : memref<1x1x1x12800xi32, #tpu.memory_space<vmem_shared>> -> memref<12800xi32, #tpu.memory_space<vmem_shared>>
      %dma_wait3A_544 = arith.constant 0 : i32
      %dma_wait3A_545 = tpu.memref_slice %arg5[%arg1, %run_scoped3A_337, %run_scoped3A_338, %dma_wait3A_544] : memref<16x2x2x12800xi32, #tpu.memory_space<vmem_shared>> -> memref<1x1x1x12800xi32, #tpu.memory_space<vmem_shared>>
      %dma_wait3A_546 = tpu.memref_squeeze %dma_wait3A_545 : memref<1x1x1x12800xi32, #tpu.memory_space<vmem_shared>> -> memref<12800xi32, #tpu.memory_space<vmem_shared>>
      tpu.wait_dma2 semaphore(%run_scoped3A_534 : memref<!tpu.dma_semaphore, #tpu.memory_space<semaphore_mem>>) src(%dma_wait3A_546 : memref<12800xi32, #tpu.memory_space<vmem_shared>>) dst(%arg7 : memref<12800xi32, #tpu.memory_space<vmem>>)
      tpu.yield
    }) : () -> ()
    %dma_wait3A_339 = arith.constant 0 : i32
    %dma_wait3A_340 = tpu.memref_slice %arg3[%dma_wait3A_339] : memref<6400000xf32, #tpu.memory_space<hbm>> -> memref<12800xf32, #tpu.memory_space<hbm>>
    %dma_wait3A_341 = arith.constant 0 : i32
    %dma_wait3A_342 = tpu.memref_slice %arg3[%dma_wait3A_341] : memref<6400000xf32, #tpu.memory_space<hbm>> -> memref<12800xf32, #tpu.memory_space<hbm>>
    tpu.wait_dma2 semaphore(%arg12 : memref<!tpu.dma_semaphore, #tpu.memory_space<semaphore_mem>>) src(%dma_wait3A_342 : memref<12800xf32, #tpu.memory_space<hbm>>) dst(%arg8 : memref<12800xf32, #tpu.memory_space<vmem>>)
    %dma_start3A_343 = arith.constant 0 : i32
    %dma_start3A_344 = tpu.memref_slice %arg10[%dma_start3A_343] : memref<100352xf32, #tpu.memory_space<vmem_shared>> -> memref<100352xf32, #tpu.memory_space<vmem_shared>>
    tpu.enqueue_indirect_dma source(%arg9 : memref<12800xf32, #tpu.memory_space<vmem>>) target(%dma_start3A_344 : memref<100352xf32, #tpu.memory_space<vmem_shared>>) offsets(%arg7 : memref<12800xi32, #tpu.memory_space<vmem>>) semaphore(%arg12 : memref<!tpu.dma_semaphore, #tpu.memory_space<semaphore_mem>>) {add = true}
    %mul3A_345 = arith.constant 15 : i32
    %mul3A_346 = arith.muli %add3A, %mul3A_345 : i32
    %add3A_347 = arith.constant 9 : i32
    %add3A_348 = arith.addi %mul3A_346, %add3A_347 : i32
    %add3A_349 = arith.constant 1 : i32
    %add3A_350 = arith.addi %add3A_348, %add3A_349 : i32
    %mul3A_351 = arith.constant 12800 : i32
    %mul3A_352 = arith.muli %add3A_350, %mul3A_351 : i32
    %multiple_of3A_353 = tpu.assume_multiple %mul3A_352, 128 : i32
    %dma_start3A_354 = arith.constant 0 : i32
    %dma_start3A_355 = arith.constant 0 : i32
    %dma_start3A_356 = arith.constant 0 : i32
    %dma_start3A_357 = tpu.memref_slice %arg5[%arg1, %dma_start3A_354, %dma_start3A_355, %dma_start3A_356] : memref<16x2x2x12800xi32, #tpu.memory_space<vmem_shared>> -> memref<1x1x2x12800xi32, #tpu.memory_space<vmem_shared>>
    %dma_start3A_358 = tpu.memref_squeeze %dma_start3A_357 : memref<1x1x2x12800xi32, #tpu.memory_space<vmem_shared>> -> memref<2x12800xi32, #tpu.memory_space<vmem_shared>>
    %dma_start3A_359 = arith.constant 0 : i32
    %dma_start3A_360 = tpu.memref_slice %arg2[%dma_start3A_359, %multiple_of3A_353] : memref<2x6400000xi32, #tpu.memory_space<hbm>> -> memref<2x12800xi32, #tpu.memory_space<hbm>>
    tpu.enqueue_dma source(%dma_start3A_360 : memref<2x12800xi32, #tpu.memory_space<hbm>>) target(%dma_start3A_358 : memref<2x12800xi32, #tpu.memory_space<vmem_shared>>) target_semaphore(%arg11 : memref<!tpu.dma_semaphore, #tpu.memory_space<semaphore_mem>>)
    %dma_start3A_361 = tpu.memref_slice %arg3[%multiple_of3A_353] : memref<6400000xf32, #tpu.memory_space<hbm>> -> memref<12800xf32, #tpu.memory_space<hbm>>
    %dma_start3A_362 = tpu.memref_slice %arg3[%multiple_of3A_353] : memref<6400000xf32, #tpu.memory_space<hbm>> -> memref<12800xf32, #tpu.memory_space<hbm>>
    tpu.enqueue_dma source(%dma_start3A_362 : memref<12800xf32, #tpu.memory_space<hbm>>) target(%arg8 : memref<12800xf32, #tpu.memory_space<vmem>>) target_semaphore(%arg11 : memref<!tpu.dma_semaphore, #tpu.memory_space<semaphore_mem>>)
    %dma_wait3A_363 = arith.constant 0 : i32
    %dma_wait3A_364 = arith.constant 0 : i32
    %dma_wait3A_365 = arith.constant 0 : i32
    %dma_wait3A_366 = tpu.memref_slice %arg5[%arg1, %dma_wait3A_363, %dma_wait3A_364, %dma_wait3A_365] : memref<16x2x2x12800xi32, #tpu.memory_space<vmem_shared>> -> memref<1x1x2x12800xi32, #tpu.memory_space<vmem_shared>>
    %dma_wait3A_367 = tpu.memref_squeeze %dma_wait3A_366 : memref<1x1x2x12800xi32, #tpu.memory_space<vmem_shared>> -> memref<2x12800xi32, #tpu.memory_space<vmem_shared>>
    %dma_wait3A_368 = arith.constant 0 : i32
    %dma_wait3A_369 = tpu.memref_slice %arg2[%dma_wait3A_368, %multiple_of3A_353] : memref<2x6400000xi32, #tpu.memory_space<hbm>> -> memref<2x12800xi32, #tpu.memory_space<hbm>>
    tpu.wait_dma2 semaphore(%arg11 : memref<!tpu.dma_semaphore, #tpu.memory_space<semaphore_mem>>) src(%dma_wait3A_369 : memref<2x12800xi32, #tpu.memory_space<hbm>>) dst(%dma_wait3A_367 : memref<2x12800xi32, #tpu.memory_space<vmem_shared>>)
    %dma_wait3A_370 = tpu.memref_slice %arg3[%multiple_of3A_353] : memref<6400000xf32, #tpu.memory_space<hbm>> -> memref<12800xf32, #tpu.memory_space<hbm>>
    %dma_wait3A_371 = tpu.memref_slice %arg3[%multiple_of3A_353] : memref<6400000xf32, #tpu.memory_space<hbm>> -> memref<12800xf32, #tpu.memory_space<hbm>>
    tpu.wait_dma2 semaphore(%arg11 : memref<!tpu.dma_semaphore, #tpu.memory_space<semaphore_mem>>) src(%dma_wait3A_371 : memref<12800xf32, #tpu.memory_space<hbm>>) dst(%arg8 : memref<12800xf32, #tpu.memory_space<vmem>>)
    %run_scoped3A_372 = arith.constant 0 : i32
    %run_scoped3A_373 = arith.constant 1 : i32
    "tpu.region"() ({
      %run_scoped3A_534 = tpu.sem_alloc : memref<!tpu.dma_semaphore, #tpu.memory_space<semaphore_mem>>
      %dma_start3A_535 = arith.constant 0 : i32
      %dma_start3A_536 = tpu.memref_slice %arg5[%arg1, %run_scoped3A_372, %run_scoped3A_373, %dma_start3A_535] : memref<16x2x2x12800xi32, #tpu.memory_space<vmem_shared>> -> memref<1x1x1x12800xi32, #tpu.memory_space<vmem_shared>>
      %dma_start3A_537 = tpu.memref_squeeze %dma_start3A_536 : memref<1x1x1x12800xi32, #tpu.memory_space<vmem_shared>> -> memref<12800xi32, #tpu.memory_space<vmem_shared>>
      %dma_start3A_538 = arith.constant 0 : i32
      %dma_start3A_539 = tpu.memref_slice %arg5[%arg1, %run_scoped3A_372, %run_scoped3A_373, %dma_start3A_538] : memref<16x2x2x12800xi32, #tpu.memory_space<vmem_shared>> -> memref<1x1x1x12800xi32, #tpu.memory_space<vmem_shared>>
      %dma_start3A_540 = tpu.memref_squeeze %dma_start3A_539 : memref<1x1x1x12800xi32, #tpu.memory_space<vmem_shared>> -> memref<12800xi32, #tpu.memory_space<vmem_shared>>
      tpu.enqueue_dma source(%dma_start3A_540 : memref<12800xi32, #tpu.memory_space<vmem_shared>>) target(%arg6 : memref<12800xi32, #tpu.memory_space<vmem>>) target_semaphore(%run_scoped3A_534 : memref<!tpu.dma_semaphore, #tpu.memory_space<semaphore_mem>>)
      %dma_wait3A_541 = arith.constant 0 : i32
      %dma_wait3A_542 = tpu.memref_slice %arg5[%arg1, %run_scoped3A_372, %run_scoped3A_373, %dma_wait3A_541] : memref<16x2x2x12800xi32, #tpu.memory_space<vmem_shared>> -> memref<1x1x1x12800xi32, #tpu.memory_space<vmem_shared>>
      %dma_wait3A_543 = tpu.memref_squeeze %dma_wait3A_542 : memref<1x1x1x12800xi32, #tpu.memory_space<vmem_shared>> -> memref<12800xi32, #tpu.memory_space<vmem_shared>>
      %dma_wait3A_544 = arith.constant 0 : i32
      %dma_wait3A_545 = tpu.memref_slice %arg5[%arg1, %run_scoped3A_372, %run_scoped3A_373, %dma_wait3A_544] : memref<16x2x2x12800xi32, #tpu.memory_space<vmem_shared>> -> memref<1x1x1x12800xi32, #tpu.memory_space<vmem_shared>>
      %dma_wait3A_546 = tpu.memref_squeeze %dma_wait3A_545 : memref<1x1x1x12800xi32, #tpu.memory_space<vmem_shared>> -> memref<12800xi32, #tpu.memory_space<vmem_shared>>
      tpu.wait_dma2 semaphore(%run_scoped3A_534 : memref<!tpu.dma_semaphore, #tpu.memory_space<semaphore_mem>>) src(%dma_wait3A_546 : memref<12800xi32, #tpu.memory_space<vmem_shared>>) dst(%arg6 : memref<12800xi32, #tpu.memory_space<vmem>>)
      tpu.yield
    }) : () -> ()
    %dma_wait3A_374 = arith.constant 0 : i32
    %dma_wait3A_375 = tpu.memref_slice %arg3[%dma_wait3A_374] : memref<6400000xf32, #tpu.memory_space<hbm>> -> memref<12800xf32, #tpu.memory_space<hbm>>
    %dma_wait3A_376 = arith.constant 0 : i32
    %dma_wait3A_377 = tpu.memref_slice %arg3[%dma_wait3A_376] : memref<6400000xf32, #tpu.memory_space<hbm>> -> memref<12800xf32, #tpu.memory_space<hbm>>
    tpu.wait_dma2 semaphore(%arg12 : memref<!tpu.dma_semaphore, #tpu.memory_space<semaphore_mem>>) src(%dma_wait3A_377 : memref<12800xf32, #tpu.memory_space<hbm>>) dst(%arg9 : memref<12800xf32, #tpu.memory_space<vmem>>)
    %dma_start3A_378 = arith.constant 0 : i32
    %dma_start3A_379 = tpu.memref_slice %arg10[%dma_start3A_378] : memref<100352xf32, #tpu.memory_space<vmem_shared>> -> memref<100352xf32, #tpu.memory_space<vmem_shared>>
    tpu.enqueue_indirect_dma source(%arg8 : memref<12800xf32, #tpu.memory_space<vmem>>) target(%dma_start3A_379 : memref<100352xf32, #tpu.memory_space<vmem_shared>>) offsets(%arg6 : memref<12800xi32, #tpu.memory_space<vmem>>) semaphore(%arg12 : memref<!tpu.dma_semaphore, #tpu.memory_space<semaphore_mem>>) {add = true}
    %mul3A_380 = arith.constant 15 : i32
    %mul3A_381 = arith.muli %add3A, %mul3A_380 : i32
    %add3A_382 = arith.constant 10 : i32
    %add3A_383 = arith.addi %mul3A_381, %add3A_382 : i32
    %add3A_384 = arith.constant 1 : i32
    %add3A_385 = arith.addi %add3A_383, %add3A_384 : i32
    %mul3A_386 = arith.constant 12800 : i32
    %mul3A_387 = arith.muli %add3A_385, %mul3A_386 : i32
    %multiple_of3A_388 = tpu.assume_multiple %mul3A_387, 128 : i32
    %dma_start3A_389 = arith.constant 1 : i32
    %dma_start3A_390 = arith.constant 0 : i32
    %dma_start3A_391 = arith.constant 0 : i32
    %dma_start3A_392 = tpu.memref_slice %arg5[%arg1, %dma_start3A_389, %dma_start3A_390, %dma_start3A_391] : memref<16x2x2x12800xi32, #tpu.memory_space<vmem_shared>> -> memref<1x1x2x12800xi32, #tpu.memory_space<vmem_shared>>
    %dma_start3A_393 = tpu.memref_squeeze %dma_start3A_392 : memref<1x1x2x12800xi32, #tpu.memory_space<vmem_shared>> -> memref<2x12800xi32, #tpu.memory_space<vmem_shared>>
    %dma_start3A_394 = arith.constant 0 : i32
    %dma_start3A_395 = tpu.memref_slice %arg2[%dma_start3A_394, %multiple_of3A_388] : memref<2x6400000xi32, #tpu.memory_space<hbm>> -> memref<2x12800xi32, #tpu.memory_space<hbm>>
    tpu.enqueue_dma source(%dma_start3A_395 : memref<2x12800xi32, #tpu.memory_space<hbm>>) target(%dma_start3A_393 : memref<2x12800xi32, #tpu.memory_space<vmem_shared>>) target_semaphore(%arg11 : memref<!tpu.dma_semaphore, #tpu.memory_space<semaphore_mem>>)
    %dma_start3A_396 = tpu.memref_slice %arg3[%multiple_of3A_388] : memref<6400000xf32, #tpu.memory_space<hbm>> -> memref<12800xf32, #tpu.memory_space<hbm>>
    %dma_start3A_397 = tpu.memref_slice %arg3[%multiple_of3A_388] : memref<6400000xf32, #tpu.memory_space<hbm>> -> memref<12800xf32, #tpu.memory_space<hbm>>
    tpu.enqueue_dma source(%dma_start3A_397 : memref<12800xf32, #tpu.memory_space<hbm>>) target(%arg9 : memref<12800xf32, #tpu.memory_space<vmem>>) target_semaphore(%arg11 : memref<!tpu.dma_semaphore, #tpu.memory_space<semaphore_mem>>)
    %dma_wait3A_398 = arith.constant 1 : i32
    %dma_wait3A_399 = arith.constant 0 : i32
    %dma_wait3A_400 = arith.constant 0 : i32
    %dma_wait3A_401 = tpu.memref_slice %arg5[%arg1, %dma_wait3A_398, %dma_wait3A_399, %dma_wait3A_400] : memref<16x2x2x12800xi32, #tpu.memory_space<vmem_shared>> -> memref<1x1x2x12800xi32, #tpu.memory_space<vmem_shared>>
    %dma_wait3A_402 = tpu.memref_squeeze %dma_wait3A_401 : memref<1x1x2x12800xi32, #tpu.memory_space<vmem_shared>> -> memref<2x12800xi32, #tpu.memory_space<vmem_shared>>
    %dma_wait3A_403 = arith.constant 0 : i32
    %dma_wait3A_404 = tpu.memref_slice %arg2[%dma_wait3A_403, %multiple_of3A_388] : memref<2x6400000xi32, #tpu.memory_space<hbm>> -> memref<2x12800xi32, #tpu.memory_space<hbm>>
    tpu.wait_dma2 semaphore(%arg11 : memref<!tpu.dma_semaphore, #tpu.memory_space<semaphore_mem>>) src(%dma_wait3A_404 : memref<2x12800xi32, #tpu.memory_space<hbm>>) dst(%dma_wait3A_402 : memref<2x12800xi32, #tpu.memory_space<vmem_shared>>)
    %dma_wait3A_405 = tpu.memref_slice %arg3[%multiple_of3A_388] : memref<6400000xf32, #tpu.memory_space<hbm>> -> memref<12800xf32, #tpu.memory_space<hbm>>
    %dma_wait3A_406 = tpu.memref_slice %arg3[%multiple_of3A_388] : memref<6400000xf32, #tpu.memory_space<hbm>> -> memref<12800xf32, #tpu.memory_space<hbm>>
    tpu.wait_dma2 semaphore(%arg11 : memref<!tpu.dma_semaphore, #tpu.memory_space<semaphore_mem>>) src(%dma_wait3A_406 : memref<12800xf32, #tpu.memory_space<hbm>>) dst(%arg9 : memref<12800xf32, #tpu.memory_space<vmem>>)
    %run_scoped3A_407 = arith.constant 1 : i32
    %run_scoped3A_408 = arith.constant 1 : i32
    "tpu.region"() ({
      %run_scoped3A_534 = tpu.sem_alloc : memref<!tpu.dma_semaphore, #tpu.memory_space<semaphore_mem>>
      %dma_start3A_535 = arith.constant 0 : i32
      %dma_start3A_536 = tpu.memref_slice %arg5[%arg1, %run_scoped3A_407, %run_scoped3A_408, %dma_start3A_535] : memref<16x2x2x12800xi32, #tpu.memory_space<vmem_shared>> -> memref<1x1x1x12800xi32, #tpu.memory_space<vmem_shared>>
      %dma_start3A_537 = tpu.memref_squeeze %dma_start3A_536 : memref<1x1x1x12800xi32, #tpu.memory_space<vmem_shared>> -> memref<12800xi32, #tpu.memory_space<vmem_shared>>
      %dma_start3A_538 = arith.constant 0 : i32
      %dma_start3A_539 = tpu.memref_slice %arg5[%arg1, %run_scoped3A_407, %run_scoped3A_408, %dma_start3A_538] : memref<16x2x2x12800xi32, #tpu.memory_space<vmem_shared>> -> memref<1x1x1x12800xi32, #tpu.memory_space<vmem_shared>>
      %dma_start3A_540 = tpu.memref_squeeze %dma_start3A_539 : memref<1x1x1x12800xi32, #tpu.memory_space<vmem_shared>> -> memref<12800xi32, #tpu.memory_space<vmem_shared>>
      tpu.enqueue_dma source(%dma_start3A_540 : memref<12800xi32, #tpu.memory_space<vmem_shared>>) target(%arg7 : memref<12800xi32, #tpu.memory_space<vmem>>) target_semaphore(%run_scoped3A_534 : memref<!tpu.dma_semaphore, #tpu.memory_space<semaphore_mem>>)
      %dma_wait3A_541 = arith.constant 0 : i32
      %dma_wait3A_542 = tpu.memref_slice %arg5[%arg1, %run_scoped3A_407, %run_scoped3A_408, %dma_wait3A_541] : memref<16x2x2x12800xi32, #tpu.memory_space<vmem_shared>> -> memref<1x1x1x12800xi32, #tpu.memory_space<vmem_shared>>
      %dma_wait3A_543 = tpu.memref_squeeze %dma_wait3A_542 : memref<1x1x1x12800xi32, #tpu.memory_space<vmem_shared>> -> memref<12800xi32, #tpu.memory_space<vmem_shared>>
      %dma_wait3A_544 = arith.constant 0 : i32
      %dma_wait3A_545 = tpu.memref_slice %arg5[%arg1, %run_scoped3A_407, %run_scoped3A_408, %dma_wait3A_544] : memref<16x2x2x12800xi32, #tpu.memory_space<vmem_shared>> -> memref<1x1x1x12800xi32, #tpu.memory_space<vmem_shared>>
      %dma_wait3A_546 = tpu.memref_squeeze %dma_wait3A_545 : memref<1x1x1x12800xi32, #tpu.memory_space<vmem_shared>> -> memref<12800xi32, #tpu.memory_space<vmem_shared>>
      tpu.wait_dma2 semaphore(%run_scoped3A_534 : memref<!tpu.dma_semaphore, #tpu.memory_space<semaphore_mem>>) src(%dma_wait3A_546 : memref<12800xi32, #tpu.memory_space<vmem_shared>>) dst(%arg7 : memref<12800xi32, #tpu.memory_space<vmem>>)
      tpu.yield
    }) : () -> ()
    %dma_wait3A_409 = arith.constant 0 : i32
    %dma_wait3A_410 = tpu.memref_slice %arg3[%dma_wait3A_409] : memref<6400000xf32, #tpu.memory_space<hbm>> -> memref<12800xf32, #tpu.memory_space<hbm>>
    %dma_wait3A_411 = arith.constant 0 : i32
    %dma_wait3A_412 = tpu.memref_slice %arg3[%dma_wait3A_411] : memref<6400000xf32, #tpu.memory_space<hbm>> -> memref<12800xf32, #tpu.memory_space<hbm>>
    tpu.wait_dma2 semaphore(%arg12 : memref<!tpu.dma_semaphore, #tpu.memory_space<semaphore_mem>>) src(%dma_wait3A_412 : memref<12800xf32, #tpu.memory_space<hbm>>) dst(%arg8 : memref<12800xf32, #tpu.memory_space<vmem>>)
    %dma_start3A_413 = arith.constant 0 : i32
    %dma_start3A_414 = tpu.memref_slice %arg10[%dma_start3A_413] : memref<100352xf32, #tpu.memory_space<vmem_shared>> -> memref<100352xf32, #tpu.memory_space<vmem_shared>>
    tpu.enqueue_indirect_dma source(%arg9 : memref<12800xf32, #tpu.memory_space<vmem>>) target(%dma_start3A_414 : memref<100352xf32, #tpu.memory_space<vmem_shared>>) offsets(%arg7 : memref<12800xi32, #tpu.memory_space<vmem>>) semaphore(%arg12 : memref<!tpu.dma_semaphore, #tpu.memory_space<semaphore_mem>>) {add = true}
    %mul3A_415 = arith.constant 15 : i32
    %mul3A_416 = arith.muli %add3A, %mul3A_415 : i32
    %add3A_417 = arith.constant 11 : i32
    %add3A_418 = arith.addi %mul3A_416, %add3A_417 : i32
    %add3A_419 = arith.constant 1 : i32
    %add3A_420 = arith.addi %add3A_418, %add3A_419 : i32
    %mul3A_421 = arith.constant 12800 : i32
    %mul3A_422 = arith.muli %add3A_420, %mul3A_421 : i32
    %multiple_of3A_423 = tpu.assume_multiple %mul3A_422, 128 : i32
    %dma_start3A_424 = arith.constant 0 : i32
    %dma_start3A_425 = arith.constant 0 : i32
    %dma_start3A_426 = arith.constant 0 : i32
    %dma_start3A_427 = tpu.memref_slice %arg5[%arg1, %dma_start3A_424, %dma_start3A_425, %dma_start3A_426] : memref<16x2x2x12800xi32, #tpu.memory_space<vmem_shared>> -> memref<1x1x2x12800xi32, #tpu.memory_space<vmem_shared>>
    %dma_start3A_428 = tpu.memref_squeeze %dma_start3A_427 : memref<1x1x2x12800xi32, #tpu.memory_space<vmem_shared>> -> memref<2x12800xi32, #tpu.memory_space<vmem_shared>>
    %dma_start3A_429 = arith.constant 0 : i32
    %dma_start3A_430 = tpu.memref_slice %arg2[%dma_start3A_429, %multiple_of3A_423] : memref<2x6400000xi32, #tpu.memory_space<hbm>> -> memref<2x12800xi32, #tpu.memory_space<hbm>>
    tpu.enqueue_dma source(%dma_start3A_430 : memref<2x12800xi32, #tpu.memory_space<hbm>>) target(%dma_start3A_428 : memref<2x12800xi32, #tpu.memory_space<vmem_shared>>) target_semaphore(%arg11 : memref<!tpu.dma_semaphore, #tpu.memory_space<semaphore_mem>>)
    %dma_start3A_431 = tpu.memref_slice %arg3[%multiple_of3A_423] : memref<6400000xf32, #tpu.memory_space<hbm>> -> memref<12800xf32, #tpu.memory_space<hbm>>
    %dma_start3A_432 = tpu.memref_slice %arg3[%multiple_of3A_423] : memref<6400000xf32, #tpu.memory_space<hbm>> -> memref<12800xf32, #tpu.memory_space<hbm>>
    tpu.enqueue_dma source(%dma_start3A_432 : memref<12800xf32, #tpu.memory_space<hbm>>) target(%arg8 : memref<12800xf32, #tpu.memory_space<vmem>>) target_semaphore(%arg11 : memref<!tpu.dma_semaphore, #tpu.memory_space<semaphore_mem>>)
    %dma_wait3A_433 = arith.constant 0 : i32
    %dma_wait3A_434 = arith.constant 0 : i32
    %dma_wait3A_435 = arith.constant 0 : i32
    %dma_wait3A_436 = tpu.memref_slice %arg5[%arg1, %dma_wait3A_433, %dma_wait3A_434, %dma_wait3A_435] : memref<16x2x2x12800xi32, #tpu.memory_space<vmem_shared>> -> memref<1x1x2x12800xi32, #tpu.memory_space<vmem_shared>>
    %dma_wait3A_437 = tpu.memref_squeeze %dma_wait3A_436 : memref<1x1x2x12800xi32, #tpu.memory_space<vmem_shared>> -> memref<2x12800xi32, #tpu.memory_space<vmem_shared>>
    %dma_wait3A_438 = arith.constant 0 : i32
    %dma_wait3A_439 = tpu.memref_slice %arg2[%dma_wait3A_438, %multiple_of3A_423] : memref<2x6400000xi32, #tpu.memory_space<hbm>> -> memref<2x12800xi32, #tpu.memory_space<hbm>>
    tpu.wait_dma2 semaphore(%arg11 : memref<!tpu.dma_semaphore, #tpu.memory_space<semaphore_mem>>) src(%dma_wait3A_439 : memref<2x12800xi32, #tpu.memory_space<hbm>>) dst(%dma_wait3A_437 : memref<2x12800xi32, #tpu.memory_space<vmem_shared>>)
    %dma_wait3A_440 = tpu.memref_slice %arg3[%multiple_of3A_423] : memref<6400000xf32, #tpu.memory_space<hbm>> -> memref<12800xf32, #tpu.memory_space<hbm>>
    %dma_wait3A_441 = tpu.memref_slice %arg3[%multiple_of3A_423] : memref<6400000xf32, #tpu.memory_space<hbm>> -> memref<12800xf32, #tpu.memory_space<hbm>>
    tpu.wait_dma2 semaphore(%arg11 : memref<!tpu.dma_semaphore, #tpu.memory_space<semaphore_mem>>) src(%dma_wait3A_441 : memref<12800xf32, #tpu.memory_space<hbm>>) dst(%arg8 : memref<12800xf32, #tpu.memory_space<vmem>>)
    %run_scoped3A_442 = arith.constant 0 : i32
    %run_scoped3A_443 = arith.constant 1 : i32
    "tpu.region"() ({
      %run_scoped3A_534 = tpu.sem_alloc : memref<!tpu.dma_semaphore, #tpu.memory_space<semaphore_mem>>
      %dma_start3A_535 = arith.constant 0 : i32
      %dma_start3A_536 = tpu.memref_slice %arg5[%arg1, %run_scoped3A_442, %run_scoped3A_443, %dma_start3A_535] : memref<16x2x2x12800xi32, #tpu.memory_space<vmem_shared>> -> memref<1x1x1x12800xi32, #tpu.memory_space<vmem_shared>>
      %dma_start3A_537 = tpu.memref_squeeze %dma_start3A_536 : memref<1x1x1x12800xi32, #tpu.memory_space<vmem_shared>> -> memref<12800xi32, #tpu.memory_space<vmem_shared>>
      %dma_start3A_538 = arith.constant 0 : i32
      %dma_start3A_539 = tpu.memref_slice %arg5[%arg1, %run_scoped3A_442, %run_scoped3A_443, %dma_start3A_538] : memref<16x2x2x12800xi32, #tpu.memory_space<vmem_shared>> -> memref<1x1x1x12800xi32, #tpu.memory_space<vmem_shared>>
      %dma_start3A_540 = tpu.memref_squeeze %dma_start3A_539 : memref<1x1x1x12800xi32, #tpu.memory_space<vmem_shared>> -> memref<12800xi32, #tpu.memory_space<vmem_shared>>
      tpu.enqueue_dma source(%dma_start3A_540 : memref<12800xi32, #tpu.memory_space<vmem_shared>>) target(%arg6 : memref<12800xi32, #tpu.memory_space<vmem>>) target_semaphore(%run_scoped3A_534 : memref<!tpu.dma_semaphore, #tpu.memory_space<semaphore_mem>>)
      %dma_wait3A_541 = arith.constant 0 : i32
      %dma_wait3A_542 = tpu.memref_slice %arg5[%arg1, %run_scoped3A_442, %run_scoped3A_443, %dma_wait3A_541] : memref<16x2x2x12800xi32, #tpu.memory_space<vmem_shared>> -> memref<1x1x1x12800xi32, #tpu.memory_space<vmem_shared>>
      %dma_wait3A_543 = tpu.memref_squeeze %dma_wait3A_542 : memref<1x1x1x12800xi32, #tpu.memory_space<vmem_shared>> -> memref<12800xi32, #tpu.memory_space<vmem_shared>>
      %dma_wait3A_544 = arith.constant 0 : i32
      %dma_wait3A_545 = tpu.memref_slice %arg5[%arg1, %run_scoped3A_442, %run_scoped3A_443, %dma_wait3A_544] : memref<16x2x2x12800xi32, #tpu.memory_space<vmem_shared>> -> memref<1x1x1x12800xi32, #tpu.memory_space<vmem_shared>>
      %dma_wait3A_546 = tpu.memref_squeeze %dma_wait3A_545 : memref<1x1x1x12800xi32, #tpu.memory_space<vmem_shared>> -> memref<12800xi32, #tpu.memory_space<vmem_shared>>
      tpu.wait_dma2 semaphore(%run_scoped3A_534 : memref<!tpu.dma_semaphore, #tpu.memory_space<semaphore_mem>>) src(%dma_wait3A_546 : memref<12800xi32, #tpu.memory_space<vmem_shared>>) dst(%arg6 : memref<12800xi32, #tpu.memory_space<vmem>>)
      tpu.yield
    }) : () -> ()
    %dma_wait3A_444 = arith.constant 0 : i32
    %dma_wait3A_445 = tpu.memref_slice %arg3[%dma_wait3A_444] : memref<6400000xf32, #tpu.memory_space<hbm>> -> memref<12800xf32, #tpu.memory_space<hbm>>
    %dma_wait3A_446 = arith.constant 0 : i32
    %dma_wait3A_447 = tpu.memref_slice %arg3[%dma_wait3A_446] : memref<6400000xf32, #tpu.memory_space<hbm>> -> memref<12800xf32, #tpu.memory_space<hbm>>
    tpu.wait_dma2 semaphore(%arg12 : memref<!tpu.dma_semaphore, #tpu.memory_space<semaphore_mem>>) src(%dma_wait3A_447 : memref<12800xf32, #tpu.memory_space<hbm>>) dst(%arg9 : memref<12800xf32, #tpu.memory_space<vmem>>)
    %dma_start3A_448 = arith.constant 0 : i32
    %dma_start3A_449 = tpu.memref_slice %arg10[%dma_start3A_448] : memref<100352xf32, #tpu.memory_space<vmem_shared>> -> memref<100352xf32, #tpu.memory_space<vmem_shared>>
    tpu.enqueue_indirect_dma source(%arg8 : memref<12800xf32, #tpu.memory_space<vmem>>) target(%dma_start3A_449 : memref<100352xf32, #tpu.memory_space<vmem_shared>>) offsets(%arg6 : memref<12800xi32, #tpu.memory_space<vmem>>) semaphore(%arg12 : memref<!tpu.dma_semaphore, #tpu.memory_space<semaphore_mem>>) {add = true}
    %mul3A_450 = arith.constant 15 : i32
    %mul3A_451 = arith.muli %add3A, %mul3A_450 : i32
    %add3A_452 = arith.constant 12 : i32
    %add3A_453 = arith.addi %mul3A_451, %add3A_452 : i32
    %add3A_454 = arith.constant 1 : i32
    %add3A_455 = arith.addi %add3A_453, %add3A_454 : i32
    %mul3A_456 = arith.constant 12800 : i32
    %mul3A_457 = arith.muli %add3A_455, %mul3A_456 : i32
    %multiple_of3A_458 = tpu.assume_multiple %mul3A_457, 128 : i32
    %dma_start3A_459 = arith.constant 1 : i32
    %dma_start3A_460 = arith.constant 0 : i32
    %dma_start3A_461 = arith.constant 0 : i32
    %dma_start3A_462 = tpu.memref_slice %arg5[%arg1, %dma_start3A_459, %dma_start3A_460, %dma_start3A_461] : memref<16x2x2x12800xi32, #tpu.memory_space<vmem_shared>> -> memref<1x1x2x12800xi32, #tpu.memory_space<vmem_shared>>
    %dma_start3A_463 = tpu.memref_squeeze %dma_start3A_462 : memref<1x1x2x12800xi32, #tpu.memory_space<vmem_shared>> -> memref<2x12800xi32, #tpu.memory_space<vmem_shared>>
    %dma_start3A_464 = arith.constant 0 : i32
    %dma_start3A_465 = tpu.memref_slice %arg2[%dma_start3A_464, %multiple_of3A_458] : memref<2x6400000xi32, #tpu.memory_space<hbm>> -> memref<2x12800xi32, #tpu.memory_space<hbm>>
    tpu.enqueue_dma source(%dma_start3A_465 : memref<2x12800xi32, #tpu.memory_space<hbm>>) target(%dma_start3A_463 : memref<2x12800xi32, #tpu.memory_space<vmem_shared>>) target_semaphore(%arg11 : memref<!tpu.dma_semaphore, #tpu.memory_space<semaphore_mem>>)
    %dma_start3A_466 = tpu.memref_slice %arg3[%multiple_of3A_458] : memref<6400000xf32, #tpu.memory_space<hbm>> -> memref<12800xf32, #tpu.memory_space<hbm>>
    %dma_start3A_467 = tpu.memref_slice %arg3[%multiple_of3A_458] : memref<6400000xf32, #tpu.memory_space<hbm>> -> memref<12800xf32, #tpu.memory_space<hbm>>
    tpu.enqueue_dma source(%dma_start3A_467 : memref<12800xf32, #tpu.memory_space<hbm>>) target(%arg9 : memref<12800xf32, #tpu.memory_space<vmem>>) target_semaphore(%arg11 : memref<!tpu.dma_semaphore, #tpu.memory_space<semaphore_mem>>)
    %dma_wait3A_468 = arith.constant 1 : i32
    %dma_wait3A_469 = arith.constant 0 : i32
    %dma_wait3A_470 = arith.constant 0 : i32
    %dma_wait3A_471 = tpu.memref_slice %arg5[%arg1, %dma_wait3A_468, %dma_wait3A_469, %dma_wait3A_470] : memref<16x2x2x12800xi32, #tpu.memory_space<vmem_shared>> -> memref<1x1x2x12800xi32, #tpu.memory_space<vmem_shared>>
    %dma_wait3A_472 = tpu.memref_squeeze %dma_wait3A_471 : memref<1x1x2x12800xi32, #tpu.memory_space<vmem_shared>> -> memref<2x12800xi32, #tpu.memory_space<vmem_shared>>
    %dma_wait3A_473 = arith.constant 0 : i32
    %dma_wait3A_474 = tpu.memref_slice %arg2[%dma_wait3A_473, %multiple_of3A_458] : memref<2x6400000xi32, #tpu.memory_space<hbm>> -> memref<2x12800xi32, #tpu.memory_space<hbm>>
    tpu.wait_dma2 semaphore(%arg11 : memref<!tpu.dma_semaphore, #tpu.memory_space<semaphore_mem>>) src(%dma_wait3A_474 : memref<2x12800xi32, #tpu.memory_space<hbm>>) dst(%dma_wait3A_472 : memref<2x12800xi32, #tpu.memory_space<vmem_shared>>)
    %dma_wait3A_475 = tpu.memref_slice %arg3[%multiple_of3A_458] : memref<6400000xf32, #tpu.memory_space<hbm>> -> memref<12800xf32, #tpu.memory_space<hbm>>
    %dma_wait3A_476 = tpu.memref_slice %arg3[%multiple_of3A_458] : memref<6400000xf32, #tpu.memory_space<hbm>> -> memref<12800xf32, #tpu.memory_space<hbm>>
    tpu.wait_dma2 semaphore(%arg11 : memref<!tpu.dma_semaphore, #tpu.memory_space<semaphore_mem>>) src(%dma_wait3A_476 : memref<12800xf32, #tpu.memory_space<hbm>>) dst(%arg9 : memref<12800xf32, #tpu.memory_space<vmem>>)
    %run_scoped3A_477 = arith.constant 1 : i32
    %run_scoped3A_478 = arith.constant 1 : i32
    "tpu.region"() ({
      %run_scoped3A_534 = tpu.sem_alloc : memref<!tpu.dma_semaphore, #tpu.memory_space<semaphore_mem>>
      %dma_start3A_535 = arith.constant 0 : i32
      %dma_start3A_536 = tpu.memref_slice %arg5[%arg1, %run_scoped3A_477, %run_scoped3A_478, %dma_start3A_535] : memref<16x2x2x12800xi32, #tpu.memory_space<vmem_shared>> -> memref<1x1x1x12800xi32, #tpu.memory_space<vmem_shared>>
      %dma_start3A_537 = tpu.memref_squeeze %dma_start3A_536 : memref<1x1x1x12800xi32, #tpu.memory_space<vmem_shared>> -> memref<12800xi32, #tpu.memory_space<vmem_shared>>
      %dma_start3A_538 = arith.constant 0 : i32
      %dma_start3A_539 = tpu.memref_slice %arg5[%arg1, %run_scoped3A_477, %run_scoped3A_478, %dma_start3A_538] : memref<16x2x2x12800xi32, #tpu.memory_space<vmem_shared>> -> memref<1x1x1x12800xi32, #tpu.memory_space<vmem_shared>>
      %dma_start3A_540 = tpu.memref_squeeze %dma_start3A_539 : memref<1x1x1x12800xi32, #tpu.memory_space<vmem_shared>> -> memref<12800xi32, #tpu.memory_space<vmem_shared>>
      tpu.enqueue_dma source(%dma_start3A_540 : memref<12800xi32, #tpu.memory_space<vmem_shared>>) target(%arg7 : memref<12800xi32, #tpu.memory_space<vmem>>) target_semaphore(%run_scoped3A_534 : memref<!tpu.dma_semaphore, #tpu.memory_space<semaphore_mem>>)
      %dma_wait3A_541 = arith.constant 0 : i32
      %dma_wait3A_542 = tpu.memref_slice %arg5[%arg1, %run_scoped3A_477, %run_scoped3A_478, %dma_wait3A_541] : memref<16x2x2x12800xi32, #tpu.memory_space<vmem_shared>> -> memref<1x1x1x12800xi32, #tpu.memory_space<vmem_shared>>
      %dma_wait3A_543 = tpu.memref_squeeze %dma_wait3A_542 : memref<1x1x1x12800xi32, #tpu.memory_space<vmem_shared>> -> memref<12800xi32, #tpu.memory_space<vmem_shared>>
      %dma_wait3A_544 = arith.constant 0 : i32
      %dma_wait3A_545 = tpu.memref_slice %arg5[%arg1, %run_scoped3A_477, %run_scoped3A_478, %dma_wait3A_544] : memref<16x2x2x12800xi32, #tpu.memory_space<vmem_shared>> -> memref<1x1x1x12800xi32, #tpu.memory_space<vmem_shared>>
      %dma_wait3A_546 = tpu.memref_squeeze %dma_wait3A_545 : memref<1x1x1x12800xi32, #tpu.memory_space<vmem_shared>> -> memref<12800xi32, #tpu.memory_space<vmem_shared>>
      tpu.wait_dma2 semaphore(%run_scoped3A_534 : memref<!tpu.dma_semaphore, #tpu.memory_space<semaphore_mem>>) src(%dma_wait3A_546 : memref<12800xi32, #tpu.memory_space<vmem_shared>>) dst(%arg7 : memref<12800xi32, #tpu.memory_space<vmem>>)
      tpu.yield
    }) : () -> ()
    %dma_wait3A_479 = arith.constant 0 : i32
    %dma_wait3A_480 = tpu.memref_slice %arg3[%dma_wait3A_479] : memref<6400000xf32, #tpu.memory_space<hbm>> -> memref<12800xf32, #tpu.memory_space<hbm>>
    %dma_wait3A_481 = arith.constant 0 : i32
    %dma_wait3A_482 = tpu.memref_slice %arg3[%dma_wait3A_481] : memref<6400000xf32, #tpu.memory_space<hbm>> -> memref<12800xf32, #tpu.memory_space<hbm>>
    tpu.wait_dma2 semaphore(%arg12 : memref<!tpu.dma_semaphore, #tpu.memory_space<semaphore_mem>>) src(%dma_wait3A_482 : memref<12800xf32, #tpu.memory_space<hbm>>) dst(%arg8 : memref<12800xf32, #tpu.memory_space<vmem>>)
    %dma_start3A_483 = arith.constant 0 : i32
    %dma_start3A_484 = tpu.memref_slice %arg10[%dma_start3A_483] : memref<100352xf32, #tpu.memory_space<vmem_shared>> -> memref<100352xf32, #tpu.memory_space<vmem_shared>>
    tpu.enqueue_indirect_dma source(%arg9 : memref<12800xf32, #tpu.memory_space<vmem>>) target(%dma_start3A_484 : memref<100352xf32, #tpu.memory_space<vmem_shared>>) offsets(%arg7 : memref<12800xi32, #tpu.memory_space<vmem>>) semaphore(%arg12 : memref<!tpu.dma_semaphore, #tpu.memory_space<semaphore_mem>>) {add = true}
    %mul3A_485 = arith.constant 15 : i32
    %mul3A_486 = arith.muli %add3A, %mul3A_485 : i32
    %add3A_487 = arith.constant 13 : i32
    %add3A_488 = arith.addi %mul3A_486, %add3A_487 : i32
    %add3A_489 = arith.constant 1 : i32
    %add3A_490 = arith.addi %add3A_488, %add3A_489 : i32
    %mul3A_491 = arith.constant 12800 : i32
    %mul3A_492 = arith.muli %add3A_490, %mul3A_491 : i32
    %multiple_of3A_493 = tpu.assume_multiple %mul3A_492, 128 : i32
    %dma_start3A_494 = arith.constant 0 : i32
    %dma_start3A_495 = arith.constant 0 : i32
    %dma_start3A_496 = arith.constant 0 : i32
    %dma_start3A_497 = tpu.memref_slice %arg5[%arg1, %dma_start3A_494, %dma_start3A_495, %dma_start3A_496] : memref<16x2x2x12800xi32, #tpu.memory_space<vmem_shared>> -> memref<1x1x2x12800xi32, #tpu.memory_space<vmem_shared>>
    %dma_start3A_498 = tpu.memref_squeeze %dma_start3A_497 : memref<1x1x2x12800xi32, #tpu.memory_space<vmem_shared>> -> memref<2x12800xi32, #tpu.memory_space<vmem_shared>>
    %dma_start3A_499 = arith.constant 0 : i32
    %dma_start3A_500 = tpu.memref_slice %arg2[%dma_start3A_499, %multiple_of3A_493] : memref<2x6400000xi32, #tpu.memory_space<hbm>> -> memref<2x12800xi32, #tpu.memory_space<hbm>>
    tpu.enqueue_dma source(%dma_start3A_500 : memref<2x12800xi32, #tpu.memory_space<hbm>>) target(%dma_start3A_498 : memref<2x12800xi32, #tpu.memory_space<vmem_shared>>) target_semaphore(%arg11 : memref<!tpu.dma_semaphore, #tpu.memory_space<semaphore_mem>>)
    %dma_start3A_501 = tpu.memref_slice %arg3[%multiple_of3A_493] : memref<6400000xf32, #tpu.memory_space<hbm>> -> memref<12800xf32, #tpu.memory_space<hbm>>
    %dma_start3A_502 = tpu.memref_slice %arg3[%multiple_of3A_493] : memref<6400000xf32, #tpu.memory_space<hbm>> -> memref<12800xf32, #tpu.memory_space<hbm>>
    tpu.enqueue_dma source(%dma_start3A_502 : memref<12800xf32, #tpu.memory_space<hbm>>) target(%arg8 : memref<12800xf32, #tpu.memory_space<vmem>>) target_semaphore(%arg11 : memref<!tpu.dma_semaphore, #tpu.memory_space<semaphore_mem>>)
    %dma_wait3A_503 = arith.constant 0 : i32
    %dma_wait3A_504 = arith.constant 0 : i32
    %dma_wait3A_505 = arith.constant 0 : i32
    %dma_wait3A_506 = tpu.memref_slice %arg5[%arg1, %dma_wait3A_503, %dma_wait3A_504, %dma_wait3A_505] : memref<16x2x2x12800xi32, #tpu.memory_space<vmem_shared>> -> memref<1x1x2x12800xi32, #tpu.memory_space<vmem_shared>>
    %dma_wait3A_507 = tpu.memref_squeeze %dma_wait3A_506 : memref<1x1x2x12800xi32, #tpu.memory_space<vmem_shared>> -> memref<2x12800xi32, #tpu.memory_space<vmem_shared>>
    %dma_wait3A_508 = arith.constant 0 : i32
    %dma_wait3A_509 = tpu.memref_slice %arg2[%dma_wait3A_508, %multiple_of3A_493] : memref<2x6400000xi32, #tpu.memory_space<hbm>> -> memref<2x12800xi32, #tpu.memory_space<hbm>>
    tpu.wait_dma2 semaphore(%arg11 : memref<!tpu.dma_semaphore, #tpu.memory_space<semaphore_mem>>) src(%dma_wait3A_509 : memref<2x12800xi32, #tpu.memory_space<hbm>>) dst(%dma_wait3A_507 : memref<2x12800xi32, #tpu.memory_space<vmem_shared>>)
    %dma_wait3A_510 = tpu.memref_slice %arg3[%multiple_of3A_493] : memref<6400000xf32, #tpu.memory_space<hbm>> -> memref<12800xf32, #tpu.memory_space<hbm>>
    %dma_wait3A_511 = tpu.memref_slice %arg3[%multiple_of3A_493] : memref<6400000xf32, #tpu.memory_space<hbm>> -> memref<12800xf32, #tpu.memory_space<hbm>>
    tpu.wait_dma2 semaphore(%arg11 : memref<!tpu.dma_semaphore, #tpu.memory_space<semaphore_mem>>) src(%dma_wait3A_511 : memref<12800xf32, #tpu.memory_space<hbm>>) dst(%arg8 : memref<12800xf32, #tpu.memory_space<vmem>>)
    %run_scoped3A_512 = arith.constant 0 : i32
    %run_scoped3A_513 = arith.constant 1 : i32
    "tpu.region"() ({
      %run_scoped3A_534 = tpu.sem_alloc : memref<!tpu.dma_semaphore, #tpu.memory_space<semaphore_mem>>
      %dma_start3A_535 = arith.constant 0 : i32
      %dma_start3A_536 = tpu.memref_slice %arg5[%arg1, %run_scoped3A_512, %run_scoped3A_513, %dma_start3A_535] : memref<16x2x2x12800xi32, #tpu.memory_space<vmem_shared>> -> memref<1x1x1x12800xi32, #tpu.memory_space<vmem_shared>>
      %dma_start3A_537 = tpu.memref_squeeze %dma_start3A_536 : memref<1x1x1x12800xi32, #tpu.memory_space<vmem_shared>> -> memref<12800xi32, #tpu.memory_space<vmem_shared>>
      %dma_start3A_538 = arith.constant 0 : i32
      %dma_start3A_539 = tpu.memref_slice %arg5[%arg1, %run_scoped3A_512, %run_scoped3A_513, %dma_start3A_538] : memref<16x2x2x12800xi32, #tpu.memory_space<vmem_shared>> -> memref<1x1x1x12800xi32, #tpu.memory_space<vmem_shared>>
      %dma_start3A_540 = tpu.memref_squeeze %dma_start3A_539 : memref<1x1x1x12800xi32, #tpu.memory_space<vmem_shared>> -> memref<12800xi32, #tpu.memory_space<vmem_shared>>
      tpu.enqueue_dma source(%dma_start3A_540 : memref<12800xi32, #tpu.memory_space<vmem_shared>>) target(%arg6 : memref<12800xi32, #tpu.memory_space<vmem>>) target_semaphore(%run_scoped3A_534 : memref<!tpu.dma_semaphore, #tpu.memory_space<semaphore_mem>>)
      %dma_wait3A_541 = arith.constant 0 : i32
      %dma_wait3A_542 = tpu.memref_slice %arg5[%arg1, %run_scoped3A_512, %run_scoped3A_513, %dma_wait3A_541] : memref<16x2x2x12800xi32, #tpu.memory_space<vmem_shared>> -> memref<1x1x1x12800xi32, #tpu.memory_space<vmem_shared>>
      %dma_wait3A_543 = tpu.memref_squeeze %dma_wait3A_542 : memref<1x1x1x12800xi32, #tpu.memory_space<vmem_shared>> -> memref<12800xi32, #tpu.memory_space<vmem_shared>>
      %dma_wait3A_544 = arith.constant 0 : i32
      %dma_wait3A_545 = tpu.memref_slice %arg5[%arg1, %run_scoped3A_512, %run_scoped3A_513, %dma_wait3A_544] : memref<16x2x2x12800xi32, #tpu.memory_space<vmem_shared>> -> memref<1x1x1x12800xi32, #tpu.memory_space<vmem_shared>>
      %dma_wait3A_546 = tpu.memref_squeeze %dma_wait3A_545 : memref<1x1x1x12800xi32, #tpu.memory_space<vmem_shared>> -> memref<12800xi32, #tpu.memory_space<vmem_shared>>
      tpu.wait_dma2 semaphore(%run_scoped3A_534 : memref<!tpu.dma_semaphore, #tpu.memory_space<semaphore_mem>>) src(%dma_wait3A_546 : memref<12800xi32, #tpu.memory_space<vmem_shared>>) dst(%arg6 : memref<12800xi32, #tpu.memory_space<vmem>>)
      tpu.yield
    }) : () -> ()
    %dma_wait3A_514 = arith.constant 0 : i32
    %dma_wait3A_515 = tpu.memref_slice %arg3[%dma_wait3A_514] : memref<6400000xf32, #tpu.memory_space<hbm>> -> memref<12800xf32, #tpu.memory_space<hbm>>
    %dma_wait3A_516 = arith.constant 0 : i32
    %dma_wait3A_517 = tpu.memref_slice %arg3[%dma_wait3A_516] : memref<6400000xf32, #tpu.memory_space<hbm>> -> memref<12800xf32, #tpu.memory_space<hbm>>
    tpu.wait_dma2 semaphore(%arg12 : memref<!tpu.dma_semaphore, #tpu.memory_space<semaphore_mem>>) src(%dma_wait3A_517 : memref<12800xf32, #tpu.memory_space<hbm>>) dst(%arg9 : memref<12800xf32, #tpu.memory_space<vmem>>)
    %dma_start3A_518 = arith.constant 0 : i32
    %dma_start3A_519 = tpu.memref_slice %arg10[%dma_start3A_518] : memref<100352xf32, #tpu.memory_space<vmem_shared>> -> memref<100352xf32, #tpu.memory_space<vmem_shared>>
    tpu.enqueue_indirect_dma source(%arg8 : memref<12800xf32, #tpu.memory_space<vmem>>) target(%dma_start3A_519 : memref<100352xf32, #tpu.memory_space<vmem_shared>>) offsets(%arg6 : memref<12800xi32, #tpu.memory_space<vmem>>) semaphore(%arg12 : memref<!tpu.dma_semaphore, #tpu.memory_space<semaphore_mem>>) {add = true}
    %dma_wait3A_520 = arith.constant 0 : i32
    %dma_wait3A_521 = tpu.memref_slice %arg3[%dma_wait3A_520] : memref<6400000xf32, #tpu.memory_space<hbm>> -> memref<12800xf32, #tpu.memory_space<hbm>>
    %dma_wait3A_522 = arith.constant 0 : i32
    %dma_wait3A_523 = tpu.memref_slice %arg3[%dma_wait3A_522] : memref<6400000xf32, #tpu.memory_space<hbm>> -> memref<12800xf32, #tpu.memory_space<hbm>>
    tpu.wait_dma2 semaphore(%arg12 : memref<!tpu.dma_semaphore, #tpu.memory_space<semaphore_mem>>) src(%dma_wait3A_523 : memref<12800xf32, #tpu.memory_space<hbm>>) dst(%arg8 : memref<12800xf32, #tpu.memory_space<vmem>>)
    %lt3A = arith.constant 20 : i32
    %lt3A_524 = arith.cmpi slt, %add3A, %lt3A : i32
    %convert_element_type3A = arith.extui %lt3A_524 : i1 to i32
    %cond3A = arith.constant 0 : i32
    %cond3A_525 = arith.cmpi ne, %convert_element_type3A, %cond3A : i32
    scf.if %cond3A_525 {
      %add3A_534 = arith.constant 480 : i32
      %add3A_535 = arith.addi %add3A_534, %add3A : i32
      %mul3A_536 = arith.constant 12800 : i32
      %mul3A_537 = arith.muli %add3A_535, %mul3A_536 : i32
      %multiple_of3A_538 = tpu.assume_multiple %mul3A_537, 128 : i32
      %dma_start3A_539 = arith.constant 0 : i32
      %dma_start3A_540 = arith.constant 0 : i32
      %dma_start3A_541 = arith.constant 0 : i32
      %dma_start3A_542 = tpu.memref_slice %arg5[%arg1, %dma_start3A_539, %dma_start3A_540, %dma_start3A_541] : memref<16x2x2x12800xi32, #tpu.memory_space<vmem_shared>> -> memref<1x1x2x12800xi32, #tpu.memory_space<vmem_shared>>
      %dma_start3A_543 = tpu.memref_squeeze %dma_start3A_542 : memref<1x1x2x12800xi32, #tpu.memory_space<vmem_shared>> -> memref<2x12800xi32, #tpu.memory_space<vmem_shared>>
      %dma_start3A_544 = arith.constant 0 : i32
      %dma_start3A_545 = tpu.memref_slice %arg2[%dma_start3A_544, %multiple_of3A_538] : memref<2x6400000xi32, #tpu.memory_space<hbm>> -> memref<2x12800xi32, #tpu.memory_space<hbm>>
      tpu.enqueue_dma source(%dma_start3A_545 : memref<2x12800xi32, #tpu.memory_space<hbm>>) target(%dma_start3A_543 : memref<2x12800xi32, #tpu.memory_space<vmem_shared>>) target_semaphore(%arg11 : memref<!tpu.dma_semaphore, #tpu.memory_space<semaphore_mem>>)
      %dma_start3A_546 = tpu.memref_slice %arg3[%multiple_of3A_538] : memref<6400000xf32, #tpu.memory_space<hbm>> -> memref<12800xf32, #tpu.memory_space<hbm>>
      %dma_start3A_547 = tpu.memref_slice %arg3[%multiple_of3A_538] : memref<6400000xf32, #tpu.memory_space<hbm>> -> memref<12800xf32, #tpu.memory_space<hbm>>
      tpu.enqueue_dma source(%dma_start3A_547 : memref<12800xf32, #tpu.memory_space<hbm>>) target(%arg8 : memref<12800xf32, #tpu.memory_space<vmem>>) target_semaphore(%arg11 : memref<!tpu.dma_semaphore, #tpu.memory_space<semaphore_mem>>)
      %dma_wait3A_548 = arith.constant 0 : i32
      %dma_wait3A_549 = arith.constant 0 : i32
      %dma_wait3A_550 = arith.constant 0 : i32
      %dma_wait3A_551 = tpu.memref_slice %arg5[%arg1, %dma_wait3A_548, %dma_wait3A_549, %dma_wait3A_550] : memref<16x2x2x12800xi32, #tpu.memory_space<vmem_shared>> -> memref<1x1x2x12800xi32, #tpu.memory_space<vmem_shared>>
      %dma_wait3A_552 = tpu.memref_squeeze %dma_wait3A_551 : memref<1x1x2x12800xi32, #tpu.memory_space<vmem_shared>> -> memref<2x12800xi32, #tpu.memory_space<vmem_shared>>
      %dma_wait3A_553 = arith.constant 0 : i32
      %dma_wait3A_554 = tpu.memref_slice %arg2[%dma_wait3A_553, %multiple_of3A_538] : memref<2x6400000xi32, #tpu.memory_space<hbm>> -> memref<2x12800xi32, #tpu.memory_space<hbm>>
      tpu.wait_dma2 semaphore(%arg11 : memref<!tpu.dma_semaphore, #tpu.memory_space<semaphore_mem>>) src(%dma_wait3A_554 : memref<2x12800xi32, #tpu.memory_space<hbm>>) dst(%dma_wait3A_552 : memref<2x12800xi32, #tpu.memory_space<vmem_shared>>)
      %dma_wait3A_555 = tpu.memref_slice %arg3[%multiple_of3A_538] : memref<6400000xf32, #tpu.memory_space<hbm>> -> memref<12800xf32, #tpu.memory_space<hbm>>
      %dma_wait3A_556 = tpu.memref_slice %arg3[%multiple_of3A_538] : memref<6400000xf32, #tpu.memory_space<hbm>> -> memref<12800xf32, #tpu.memory_space<hbm>>
      tpu.wait_dma2 semaphore(%arg11 : memref<!tpu.dma_semaphore, #tpu.memory_space<semaphore_mem>>) src(%dma_wait3A_556 : memref<12800xf32, #tpu.memory_space<hbm>>) dst(%arg8 : memref<12800xf32, #tpu.memory_space<vmem>>)
      %run_scoped3A_557 = arith.constant 0 : i32
      %run_scoped3A_558 = arith.constant 1 : i32
      "tpu.region"() ({
        %run_scoped3A_565 = tpu.sem_alloc : memref<!tpu.dma_semaphore, #tpu.memory_space<semaphore_mem>>
        %dma_start3A_566 = arith.constant 0 : i32
        %dma_start3A_567 = tpu.memref_slice %arg5[%arg1, %run_scoped3A_557, %run_scoped3A_558, %dma_start3A_566] : memref<16x2x2x12800xi32, #tpu.memory_space<vmem_shared>> -> memref<1x1x1x12800xi32, #tpu.memory_space<vmem_shared>>
        %dma_start3A_568 = tpu.memref_squeeze %dma_start3A_567 : memref<1x1x1x12800xi32, #tpu.memory_space<vmem_shared>> -> memref<12800xi32, #tpu.memory_space<vmem_shared>>
        %dma_start3A_569 = arith.constant 0 : i32
        %dma_start3A_570 = tpu.memref_slice %arg5[%arg1, %run_scoped3A_557, %run_scoped3A_558, %dma_start3A_569] : memref<16x2x2x12800xi32, #tpu.memory_space<vmem_shared>> -> memref<1x1x1x12800xi32, #tpu.memory_space<vmem_shared>>
        %dma_start3A_571 = tpu.memref_squeeze %dma_start3A_570 : memref<1x1x1x12800xi32, #tpu.memory_space<vmem_shared>> -> memref<12800xi32, #tpu.memory_space<vmem_shared>>
        tpu.enqueue_dma source(%dma_start3A_571 : memref<12800xi32, #tpu.memory_space<vmem_shared>>) target(%arg6 : memref<12800xi32, #tpu.memory_space<vmem>>) target_semaphore(%run_scoped3A_565 : memref<!tpu.dma_semaphore, #tpu.memory_space<semaphore_mem>>)
        %dma_wait3A_572 = arith.constant 0 : i32
        %dma_wait3A_573 = tpu.memref_slice %arg5[%arg1, %run_scoped3A_557, %run_scoped3A_558, %dma_wait3A_572] : memref<16x2x2x12800xi32, #tpu.memory_space<vmem_shared>> -> memref<1x1x1x12800xi32, #tpu.memory_space<vmem_shared>>
        %dma_wait3A_574 = tpu.memref_squeeze %dma_wait3A_573 : memref<1x1x1x12800xi32, #tpu.memory_space<vmem_shared>> -> memref<12800xi32, #tpu.memory_space<vmem_shared>>
        %dma_wait3A_575 = arith.constant 0 : i32
        %dma_wait3A_576 = tpu.memref_slice %arg5[%arg1, %run_scoped3A_557, %run_scoped3A_558, %dma_wait3A_575] : memref<16x2x2x12800xi32, #tpu.memory_space<vmem_shared>> -> memref<1x1x1x12800xi32, #tpu.memory_space<vmem_shared>>
        %dma_wait3A_577 = tpu.memref_squeeze %dma_wait3A_576 : memref<1x1x1x12800xi32, #tpu.memory_space<vmem_shared>> -> memref<12800xi32, #tpu.memory_space<vmem_shared>>
        tpu.wait_dma2 semaphore(%run_scoped3A_565 : memref<!tpu.dma_semaphore, #tpu.memory_space<semaphore_mem>>) src(%dma_wait3A_577 : memref<12800xi32, #tpu.memory_space<vmem_shared>>) dst(%arg6 : memref<12800xi32, #tpu.memory_space<vmem>>)
        tpu.yield
      }) : () -> ()
      %dma_start3A_559 = arith.constant 0 : i32
      %dma_start3A_560 = tpu.memref_slice %arg10[%dma_start3A_559] : memref<100352xf32, #tpu.memory_space<vmem_shared>> -> memref<100352xf32, #tpu.memory_space<vmem_shared>>
      tpu.enqueue_indirect_dma source(%arg8 : memref<12800xf32, #tpu.memory_space<vmem>>) target(%dma_start3A_560 : memref<100352xf32, #tpu.memory_space<vmem_shared>>) offsets(%arg6 : memref<12800xi32, #tpu.memory_space<vmem>>) semaphore(%arg12 : memref<!tpu.dma_semaphore, #tpu.memory_space<semaphore_mem>>) {add = true}
      %dma_wait3A_561 = arith.constant 0 : i32
      %dma_wait3A_562 = tpu.memref_slice %arg3[%dma_wait3A_561] : memref<6400000xf32, #tpu.memory_space<hbm>> -> memref<12800xf32, #tpu.memory_space<hbm>>
      %dma_wait3A_563 = arith.constant 0 : i32
      %dma_wait3A_564 = tpu.memref_slice %arg3[%dma_wait3A_563] : memref<6400000xf32, #tpu.memory_space<hbm>> -> memref<12800xf32, #tpu.memory_space<hbm>>
      tpu.wait_dma2 semaphore(%arg12 : memref<!tpu.dma_semaphore, #tpu.memory_space<semaphore_mem>>) src(%dma_wait3A_564 : memref<12800xf32, #tpu.memory_space<hbm>>) dst(%arg8 : memref<12800xf32, #tpu.memory_space<vmem>>)
    } else {
    }
    %barrier3A_526 = arith.constant 0 : index
    tpu.barrier barrier_id(%barrier3A_526)
    %mul3A_527 = arith.constant 6272 : i32
    %mul3A_528 = arith.muli %arg1, %mul3A_527 : i32
    %mul3A_529 = arith.constant 100352 : i32
    %mul3A_530 = arith.muli %arg0, %mul3A_529 : i32
    %mul3A_531 = arith.constant 6272 : i32
    %mul3A_532 = arith.muli %arg1, %mul3A_531 : i32
    %add3A_533 = arith.addi %mul3A_530, %mul3A_532 : i32
    "tpu.region"() ({
      %run_scoped3A_534 = tpu.sem_alloc : memref<!tpu.dma_semaphore, #tpu.memory_space<semaphore_mem>>
      %dma_start3A_535 = tpu.memref_slice %arg4[%add3A_533] : memref<200704xf32, #tpu.memory_space<hbm>> -> memref<6272xf32, #tpu.memory_space<hbm>>
      %dma_start3A_536 = tpu.memref_slice %arg10[%mul3A_528] : memref<100352xf32, #tpu.memory_space<vmem_shared>> -> memref<6272xf32, #tpu.memory_space<vmem_shared>>
      tpu.enqueue_dma source(%dma_start3A_536 : memref<6272xf32, #tpu.memory_space<vmem_shared>>) target(%dma_start3A_535 : memref<6272xf32, #tpu.memory_space<hbm>>) target_semaphore(%run_scoped3A_534 : memref<!tpu.dma_semaphore, #tpu.memory_space<semaphore_mem>>)
      %dma_wait3A_537 = tpu.memref_slice %arg4[%add3A_533] : memref<200704xf32, #tpu.memory_space<hbm>> -> memref<6272xf32, #tpu.memory_space<hbm>>
      %dma_wait3A_538 = tpu.memref_slice %arg10[%mul3A_528] : memref<100352xf32, #tpu.memory_space<vmem_shared>> -> memref<6272xf32, #tpu.memory_space<vmem_shared>>
      tpu.wait_dma2 semaphore(%run_scoped3A_534 : memref<!tpu.dma_semaphore, #tpu.memory_space<semaphore_mem>>) src(%dma_wait3A_538 : memref<6272xf32, #tpu.memory_space<vmem_shared>>) dst(%dma_wait3A_537 : memref<6272xf32, #tpu.memory_space<hbm>>)
      tpu.yield
    }) : () -> ()
    return
  }
}

#map = affine_map<(d0, d1) -> (0)>
module attributes {stable_mosaic.version = 14 : i64} {
  func.func @_finalize_body(%arg0: i32, %arg1: i32, %arg2: memref<200704xf32, #tpu.memory_space<hbm>>, %arg3: memref<100352xf32, #tpu.memory_space<hbm>>, %arg4: memref<100352xf32, #tpu.memory_space<hbm>>, %arg5: memref<3136xf32, #tpu.memory_space<vmem>>, %arg6: memref<3136xf32, #tpu.memory_space<vmem>>, %arg7: memref<3136xf32, #tpu.memory_space<vmem>>, %arg8: memref<3136xf32, #tpu.memory_space<vmem>>) attributes {dimension_semantics = [#tpu.dimension_semantics<core_parallel>, #tpu.dimension_semantics<subcore_parallel>], iteration_bounds = array<i64: 2, 16>, scalar_prefetch = 0 : i64, scratch_operands = 4 : i64, tpu.core_type = #tpu.core_type<sc_vector_subcore>, window_params = [{transform_indices = #map}, {transform_indices = #map}, {transform_indices = #map}]} {
    %mul3A = arith.constant 16 : i32
    %mul3A_0 = arith.muli %arg0, %mul3A : i32
    %add3A = arith.addi %mul3A_0, %arg1 : i32
    %mul3A_1 = arith.constant 3136 : i32
    %mul3A_2 = arith.muli %add3A, %mul3A_1 : i32
    "tpu.region"() ({
      %run_scoped3A = tpu.sem_alloc : memref<!tpu.dma_semaphore, #tpu.memory_space<semaphore_mem>>
      %dma_start3A = tpu.memref_slice %arg2[%mul3A_2] : memref<200704xf32, #tpu.memory_space<hbm>> -> memref<3136xf32, #tpu.memory_space<hbm>>
      %dma_start3A_9 = tpu.memref_slice %arg2[%mul3A_2] : memref<200704xf32, #tpu.memory_space<hbm>> -> memref<3136xf32, #tpu.memory_space<hbm>>
      tpu.enqueue_dma source(%dma_start3A_9 : memref<3136xf32, #tpu.memory_space<hbm>>) target(%arg5 : memref<3136xf32, #tpu.memory_space<vmem>>) target_semaphore(%run_scoped3A : memref<!tpu.dma_semaphore, #tpu.memory_space<semaphore_mem>>)
      %dma_wait3A = tpu.memref_slice %arg2[%mul3A_2] : memref<200704xf32, #tpu.memory_space<hbm>> -> memref<3136xf32, #tpu.memory_space<hbm>>
      %dma_wait3A_10 = tpu.memref_slice %arg2[%mul3A_2] : memref<200704xf32, #tpu.memory_space<hbm>> -> memref<3136xf32, #tpu.memory_space<hbm>>
      tpu.wait_dma2 semaphore(%run_scoped3A : memref<!tpu.dma_semaphore, #tpu.memory_space<semaphore_mem>>) src(%dma_wait3A_10 : memref<3136xf32, #tpu.memory_space<hbm>>) dst(%arg5 : memref<3136xf32, #tpu.memory_space<vmem>>)
      tpu.yield
    }) : () -> ()
    %add3A_3 = arith.constant 100352 : i32
    %add3A_4 = arith.addi %add3A_3, %mul3A_2 : i32
    "tpu.region"() ({
      %run_scoped3A = tpu.sem_alloc : memref<!tpu.dma_semaphore, #tpu.memory_space<semaphore_mem>>
      %dma_start3A = tpu.memref_slice %arg2[%add3A_4] : memref<200704xf32, #tpu.memory_space<hbm>> -> memref<3136xf32, #tpu.memory_space<hbm>>
      %dma_start3A_9 = tpu.memref_slice %arg2[%add3A_4] : memref<200704xf32, #tpu.memory_space<hbm>> -> memref<3136xf32, #tpu.memory_space<hbm>>
      tpu.enqueue_dma source(%dma_start3A_9 : memref<3136xf32, #tpu.memory_space<hbm>>) target(%arg6 : memref<3136xf32, #tpu.memory_space<vmem>>) target_semaphore(%run_scoped3A : memref<!tpu.dma_semaphore, #tpu.memory_space<semaphore_mem>>)
      %dma_wait3A = tpu.memref_slice %arg2[%add3A_4] : memref<200704xf32, #tpu.memory_space<hbm>> -> memref<3136xf32, #tpu.memory_space<hbm>>
      %dma_wait3A_10 = tpu.memref_slice %arg2[%add3A_4] : memref<200704xf32, #tpu.memory_space<hbm>> -> memref<3136xf32, #tpu.memory_space<hbm>>
      tpu.wait_dma2 semaphore(%run_scoped3A : memref<!tpu.dma_semaphore, #tpu.memory_space<semaphore_mem>>) src(%dma_wait3A_10 : memref<3136xf32, #tpu.memory_space<hbm>>) dst(%arg6 : memref<3136xf32, #tpu.memory_space<vmem>>)
      tpu.yield
    }) : () -> ()
    "tpu.region"() ({
      %run_scoped3A = tpu.sem_alloc : memref<!tpu.dma_semaphore, #tpu.memory_space<semaphore_mem>>
      %dma_start3A = tpu.memref_slice %arg3[%mul3A_2] : memref<100352xf32, #tpu.memory_space<hbm>> -> memref<3136xf32, #tpu.memory_space<hbm>>
      %dma_start3A_9 = tpu.memref_slice %arg3[%mul3A_2] : memref<100352xf32, #tpu.memory_space<hbm>> -> memref<3136xf32, #tpu.memory_space<hbm>>
      tpu.enqueue_dma source(%dma_start3A_9 : memref<3136xf32, #tpu.memory_space<hbm>>) target(%arg7 : memref<3136xf32, #tpu.memory_space<vmem>>) target_semaphore(%run_scoped3A : memref<!tpu.dma_semaphore, #tpu.memory_space<semaphore_mem>>)
      %dma_wait3A = tpu.memref_slice %arg3[%mul3A_2] : memref<100352xf32, #tpu.memory_space<hbm>> -> memref<3136xf32, #tpu.memory_space<hbm>>
      %dma_wait3A_10 = tpu.memref_slice %arg3[%mul3A_2] : memref<100352xf32, #tpu.memory_space<hbm>> -> memref<3136xf32, #tpu.memory_space<hbm>>
      tpu.wait_dma2 semaphore(%run_scoped3A : memref<!tpu.dma_semaphore, #tpu.memory_space<semaphore_mem>>) src(%dma_wait3A_10 : memref<3136xf32, #tpu.memory_space<hbm>>) dst(%arg7 : memref<3136xf32, #tpu.memory_space<vmem>>)
      tpu.yield
    }) : () -> ()
    %scan3A = arith.constant 0 : i32
    %scan3A_5 = arith.constant 196 : i32
    %scan3A_6 = arith.addi %scan3A, %scan3A_5 : i32
    %scan3A_7 = arith.constant 1 : i32
    scf.for %scan3A_9 = %scan3A to %scan3A_6 step %scan3A_7  : i32 {
      %mul3A_10 = arith.constant 1 : i32
      %mul3A_11 = arith.muli %scan3A_9, %mul3A_10 : i32
      %add3A_12 = arith.constant 0 : i32
      %add3A_13 = arith.addi %add3A_12, %mul3A_11 : i32
      %mul3A_14 = arith.constant 16 : i32
      %mul3A_15 = arith.muli %add3A_13, %mul3A_14 : i32
      %get3A = arith.index_cast %mul3A_15 : i32 to index
      %get3A_16 = tpu.vector_load %arg7[%get3A] {strides = array<i32>} : memref<3136xf32, #tpu.memory_space<vmem>>, vector<16xf32>,
      %get3A_17 = vector.shape_cast %get3A_16 : vector<16xf32> to vector<16xf32>
      %get3A_18 = arith.index_cast %mul3A_15 : i32 to index
      %get3A_19 = tpu.vector_load %arg5[%get3A_18] {strides = array<i32>} : memref<3136xf32, #tpu.memory_space<vmem>>, vector<16xf32>,
      %get3A_20 = vector.shape_cast %get3A_19 : vector<16xf32> to vector<16xf32>
      %get3A_21 = arith.index_cast %mul3A_15 : i32 to index
      %get3A_22 = tpu.vector_load %arg6[%get3A_21] {strides = array<i32>} : memref<3136xf32, #tpu.memory_space<vmem>>, vector<16xf32>,
      %get3A_23 = vector.shape_cast %get3A_22 : vector<16xf32> to vector<16xf32>
      %add3A_24 = arith.addf %get3A_20, %get3A_23 : vector<16xf32>
      %sub3A = arith.subf %get3A_17, %add3A_24 : vector<16xf32>
      %swap3A = arith.index_cast %mul3A_15 : i32 to index
      %swap3A_25 = tpu.vector_load %arg8[%swap3A] {strides = array<i32>} : memref<3136xf32, #tpu.memory_space<vmem>>, vector<16xf32>,
      %swap3A_26 = vector.shape_cast %swap3A_25 : vector<16xf32> to vector<16xf32>
      %swap3A_27 = vector.shape_cast %sub3A : vector<16xf32> to vector<16xf32>
      tpu.vector_store %arg8[%swap3A], %swap3A_27 {strides = array<i32>} : memref<3136xf32, #tpu.memory_space<vmem>>, vector<16xf32>,
    }
    %scan3A_8 = arith.constant 196 : i32
    "tpu.region"() ({
      %run_scoped3A = tpu.sem_alloc : memref<!tpu.dma_semaphore, #tpu.memory_space<semaphore_mem>>
      %dma_start3A = tpu.memref_slice %arg4[%mul3A_2] : memref<100352xf32, #tpu.memory_space<hbm>> -> memref<3136xf32, #tpu.memory_space<hbm>>
      %dma_start3A_9 = tpu.memref_slice %arg4[%mul3A_2] : memref<100352xf32, #tpu.memory_space<hbm>> -> memref<3136xf32, #tpu.memory_space<hbm>>
      tpu.enqueue_dma source(%arg8 : memref<3136xf32, #tpu.memory_space<vmem>>) target(%dma_start3A_9 : memref<3136xf32, #tpu.memory_space<hbm>>) target_semaphore(%run_scoped3A : memref<!tpu.dma_semaphore, #tpu.memory_space<semaphore_mem>>)
      %dma_wait3A = tpu.memref_slice %arg4[%mul3A_2] : memref<100352xf32, #tpu.memory_space<hbm>> -> memref<3136xf32, #tpu.memory_space<hbm>>
      %dma_wait3A_10 = tpu.memref_slice %arg4[%mul3A_2] : memref<100352xf32, #tpu.memory_space<hbm>> -> memref<3136xf32, #tpu.memory_space<hbm>>
      tpu.wait_dma2 semaphore(%run_scoped3A : memref<!tpu.dma_semaphore, #tpu.memory_space<semaphore_mem>>) src(%arg8 : memref<3136xf32, #tpu.memory_space<vmem>>) dst(%dma_wait3A_10 : memref<3136xf32, #tpu.memory_space<hbm>>)
      tpu.yield
    }) : () -> ()
    return
  }
}

</mosaic_0001>

<sc_bundles>
// kernel: kernel.4.cloned.1.call-start
scs
__scs_entry_jumppad:
0x0: {  	(pc) =	sbr.rel $0x88, $3  }
0x1: {  	(tag) =	ssettag $0x0;
	lr =	simm.s32 $0x1  }
0x2: {  	[smem:$0x3F9E] =	sst lr;
	_ =	strace $0xD0000000  }
0x3: {  	_ = 	snop  }
0x4: {  	_ = 	snop  }
0x5: {  	_ = 	snop  }
0x6: {  	_ = 	snop  }
0x7: {  	_ = 	snop  }
__scs_overlays_trampoline_lowered:
0x8: {  	[smem:$0x3FAD] =	sst s0  }
0x9: {  	[smem:$0x3FAE] =	sst s1  }
0xa: {  	[smem:$0x3FAF] =	sst s2  }
0xb: {  	[smem:$0x3FB0] =	sst s3  }
0xc: {  	[smem:$0x3FB1] =	sst s4  }
0xd: {  	[smem:$0x3FB2] =	sst s5  }
0xe: {  	[smem:$0x3FB3] =	sst s6  }
0xf: {  	[smem:$0x3FB4] =	sst s7  }
0x10: {  	[smem:$0x3FB5] =	sst s8  }
0x11: {  	[smem:$0x3FB6] =	sst s9;
	s0 =	simm.s32 @!p0 $0x0  }
0x12: {  	s1 =	sld [smem:$0x3F9C];
	s0 =	simm.s32 @p0 $0x1  }
0x13: {  	[smem:$0x3FB7] =	sst s0;
	s0 =	simm.s32 @!p1 $0x0  }
0x14: {  	s2 =	sld [smem:$0x3F9B];
	s0 =	simm.s32 @p1 $0x1  }
0x15: {  	[smem:$0x3FB8] =	sst s0;
	s0 =	simm.s32 @!p2 $0x0  }
0x16: {  	s3 =	sld [smem:$0x3FDB];
	s0 =	simm.s32 @p2 $0x1  }
0x17: {  	s4 =	simm.s32 $0x1BF5;
	[smem:$0x3FBA] =	sst s0  }
0x18: {  	s0 =	sld [smem:$0x3F9D];
	_ =	swait.ge [sflag:s4], $0x0  }
0x19: {  	s7 =	sld [smem:$0x3F9E]  }
0x1a: {  	s8 =	sadd.s32 $0xFFFFE003, lr  }
0x1b: {  	s9 =	sadd.s32 $0xFFFFFEF7, lr;
	s5 =	simm.s32 $0xFFFFFFFF;
	p2 =	slt.u32 s8, $0xFFFFF086  }
0x1c: {  	p1 =	slt.u32 s9, $0xF7A;
	s5 =	simm.s32 @!p2 $0x0  }
0x1d: {  	s5 =	simm.s32 @p1 $0x1;
	p0 =	seq.s32 s7, s2  }
0x1e: {  	s7 =	smul.u32 @!p0 $0xF7A, s2;
	p2 =	seq.s32 @!p0 s5, $0x0  }
0x1f: {  	s9 =	smul.u32 $0xF7A, s1;
	s8 =	simm.s32 @!p0 $0x1BF5;
	p2 =	por !p2, p0  }
0x20: {  	[sflag:s8] =	ssyncset.s32 @!p0 $0xFFFFF086;
	s6 =	sadd.s32 @!p0 s3, s7;
	s7 =	simm.s32 @!p0 $0x108  }
0x21: {  	s3 =	sadd.s32 s3, s9;
	s6 =	sadd.s32 @!p0 $0x88, s6;
	s7 =	simm.s32 @p2 $0x1082  }
0x22: {  	[simem:s7], [sflag:s8] =	dma.local @!p0 [hbm:s6], $0xF7A  }
0x23: {  	s9 =	sor.u32 $0xD0000000, s2;
	s6 =	simm.s32 $0x108;
	_ =	swait.ge @!p0 [sflag:s8], $0x0  }
0x24: {  	s3 =	sadd.s32 $0x88, s3;
	s6 =	simm.s32 @!p1 $0x1082;
	[sflag:s4] =	ssyncset.s32 $0xFFFFF086  }
0x25: {  	[simem:s6], [sflag:s4] =	dma.local [hbm:s3], $0xF7A  }
0x26: {  	[smem:$0x3F9E] =	sst s1;
	(tag) =	ssettag s2;
	_ =	strace s9  }
0x27: {  	s1 =	sld [smem:$0x3FAE]  }
0x28: {  	s2 =	sld [smem:$0x3FAF]  }
0x29: {  	s4 =	sld [smem:$0x3FB1]  }
0x2a: {  	p0 =	seq.s32 s5, $0x0;
	s5 =	sld [smem:$0x3FB2]  }
0x2b: {  	s6 =	sld [smem:$0x3FB3]  }
0x2c: {  	s7 =	sld [smem:$0x3FB4]  }
0x2d: {  	s3 =	simm.s32 $0x108;
	s8 =	sld [smem:$0x3FB5]  }
0x2e: {  	s3 =	simm.s32 @!p0 $0x1082;
	s9 =	sld [smem:$0x3FB6]  }
0x2f: {  	lr =	sadd.s32 s0, s3;
	s0 =	sld [smem:$0x3FAD]  }
0x30: {  	s3 =	sld [smem:$0x3FB0]  }
0x31: {  	[smem:$0x3FB9] =	sst s10  }
0x32: {  	s10 =	sld [smem:$0x3FB7];
	_ =	sdelay $0x3  }
0x33: {  	p0 =	seq.s32 s10, $0x1;
	s10 =	sld [smem:$0x3FB9];
	_ =	sdelay $0x3  }
0x34: {  	[smem:$0x3FB9] =	sst s10  }
0x35: {  	s10 =	sld [smem:$0x3FB8];
	_ =	sdelay $0x3  }
0x36: {  	p1 =	seq.s32 s10, $0x1;
	s10 =	sld [smem:$0x3FB9];
	_ =	sdelay $0x3  }
0x37: {  	[smem:$0x3FB9] =	sst s10  }
0x38: {  	s10 =	sld [smem:$0x3FBA]  }
0x39: {  	_ = 	snop;
	(pc) =	sbr.ind lr, $3  }
0x3a: {  	_ = 	snop  }
0x3b: {  	_ = 	snop  }
0x3c: {  	p2 =	seq.s32 s10, $0x1;
	s10 =	sld [smem:$0x3FB9]  }
0x3d: {  	_ =	shalt  }
0x3e: {  	_ =	shalt  }
0x3f: {  	_ =	shalt  }
0x40: {  	_ =	shalt  }
0x41: {  	_ =	shalt  }
0x42: {  	_ =	shalt  }
0x43: {  	_ =	shalt  }
0x44: {  	_ =	shalt  }
0x45: {  	_ =	shalt  }
0x46: {  	_ =	shalt  }
0x47: {  	_ =	shalt  }
0x48: {  	_ =	shalt  }
0x49: {  	_ =	shalt  }
0x4a: {  	_ =	shalt  }
0x4b: {  	_ =	shalt  }
0x4c: {  	_ =	shalt  }
0x4d: {  	_ =	shalt  }
0x4e: {  	_ =	shalt  }
0x4f: {  	_ =	shalt  }
0x50: {  	_ =	shalt  }
0x51: {  	_ =	shalt  }
0x52: {  	_ =	shalt  }
0x53: {  	_ =	shalt  }
0x54: {  	_ =	shalt  }
0x55: {  	_ =	shalt  }
0x56: {  	_ =	shalt  }
0x57: {  	_ =	shalt  }
0x58: {  	_ =	shalt  }
0x59: {  	_ =	shalt  }
0x5a: {  	_ =	shalt  }
0x5b: {  	_ =	shalt  }
0x5c: {  	_ =	shalt  }
0x5d: {  	_ =	shalt  }
0x5e: {  	_ =	shalt  }
0x5f: {  	_ =	shalt  }
0x60: {  	_ =	shalt  }
0x61: {  	_ =	shalt  }
0x62: {  	_ =	shalt  }
0x63: {  	_ =	shalt  }
0x64: {  	_ =	shalt  }
0x65: {  	_ =	shalt  }
0x66: {  	_ =	shalt  }
0x67: {  	_ =	shalt  }
0x68: {  	_ =	shalt  }
0x69: {  	_ =	shalt  }
0x6a: {  	_ =	shalt  }
0x6b: {  	_ =	shalt  }
0x6c: {  	_ =	shalt  }
0x6d: {  	_ =	shalt  }
0x6e: {  	_ =	shalt  }
0x6f: {  	_ =	shalt  }
0x70: {  	_ =	shalt  }
0x71: {  	_ =	shalt  }
0x72: {  	_ =	shalt  }
0x73: {  	_ =	shalt  }
0x74: {  	_ =	shalt  }
0x75: {  	_ =	shalt  }
0x76: {  	_ =	shalt  }
0x77: {  	_ =	shalt  }
0x78: {  	_ =	shalt  }
0x79: {  	_ =	shalt  }
0x7a: {  	_ =	shalt  }
0x7b: {  	_ =	shalt  }
0x7c: {  	_ =	shalt  }
0x7d: {  	_ =	shalt  }
0x7e: {  	_ =	shalt  }
0x7f: {  	_ =	shalt  }
0x80: {  	_ =	shalt  }
0x81: {  	_ =	shalt  }
0x82: {  	_ =	shalt  }
0x83: {  	_ =	shalt  }
0x84: {  	_ =	shalt  }
0x85: {  	_ =	shalt  }
0x86: {  	_ =	shalt  }
0x87: {  	_ =	shalt  }
.Lfunc_end0:
.L_simem_size_0:
called_computation_lowered:
.L_overlay_start_0:
0x88: {  	s2 =	sld [smem:$0x3FD9]  }
0x89: {  	s3 =	sld [smem:$0x3FFE];
	_ =	sdelay $0x1  }
0x8a: {  	s1 =	srdreg.scid  }
0x8b: {  	s0 =	sand.u32 $0x1, s1  }
0x8c: {  	s18 =	sshll.u32 s0, $0xA;
	s2 =	sadd.s32 s3, s2  }
0x8d: {  	s2 =	sadd.s32 s2, s18  }
0x8e: {  	[smem:$0x3FC5] =	sst s2  }
0x8f: {  	_ = 	snop  }
0x90: {  	s2 =	sld [smem:$0x3FC8]  }
0x91: {  	s19 =	sld [smem:$0x3FC7]  }
0x92: {  	s4 =	sld [smem:$0x3FD0];
	(tm) =	ssettm $0x1  }
0x93: {  	s5 =	sld [smem:$0x3FFB];
	_ =	sdelay $0x3  }
0x94: {  	_ =	strace s5  }
0x95: {  	s5 =	sld [smem:$0x3FFC];
	_ =	sdelay $0x3  }
0x96: {  	_ =	strace s5  }
0x97: {  	s5 =	sld [smem:$0x3FFD];
	_ =	sdelay $0x3  }
0x98: {  	_ =	strace s5  }
0x99: {  	_ =	strace $0x8FFFFFFF  }
0x9a: {  	s20 =	sld [smem:$0x3FDB];
	_ =	sdelay $0x1  }
0x9b: {  	s6 =	simm.s32 $_scs_section_size  }
0x9c: {  	s7 =	simm.s32 $_size__tile_overlayer_lowered;
	s8 =	simm.s32 $_tile_overlayer_lowered  }
0x9d: {  	s23 =	simm.s32 $0x1BFF;
	s22 =	sshll.u32 s8, $0x1;
	s5 =	sadd.s32 s6, s20  }
0x9e: {  	s9 =	simm.s32 $0x0;
	s21 =	sshll.u32 s7, $0x1;
	s7 =	sadd.s32 s22, s5  }
0x9f: {  	[timem:s9], [sflag:s23] =	dma.local [hbm:s7], s21  }
0xa0: {  	_ =	swait.ge [sflag:s23], s21  }
0xa1: {  	s6 =	ssub.s32 $0x0, s21;
	[sflag:s23] =	ssyncset.done $0x0  }
0xa2: {  	[sflag:s23] =	ssyncadd.s32 s6;
	_ =	sdelay $0x1  }
0xa3: {  	s24 =	simm.s32 $0x1B8B  }
0xa4: {  	_ =	swait.ge [sflag:s24], $0x1  }
0xa5: {  	[sflag:s24] =	ssyncset.done $0x0  }
0xa6: {  	s25 =	simm.s32 $0x1B8E;
	[sflag:s24] =	ssyncadd.s32 $0xFFFFFFFF  }
0xa7: {  	s26 =	simm.s32 $execute0_lowered;
	[smem:$0x3FD2] =	sst s25  }
0xa8: {  	s6 =	sshll.u32 s26, $0x1;
	_ =	strace $0x80000046;
	[dreg:$0x1] =	wrdreg $0xFFFFFFFF  }
0xa9: {  	s28 =	simm.s32 $_size_execute0_lowered;
	s5 =	sadd.s32 s5, s6;
	[dreg:$0x0] =	wrdreg $0x0  }
0xaa: {  	s6 =	sshll.u32 s28, $0x1;
	[dreg:$0x2] =	wrdreg s5  }
0xab: {  	[dreg:$0x3] =	wrdreg s6  }
0xac: {  	[dreg:$0x4] =	wrdreg $0xC0  }
0xad: {  	_ =	task [dreg:s9], $0x5FFFF  }
0xae: {  	[dreg:$0x1] =	wrdreg $0xFFFFFFFF  }
0xaf: {  	[dreg:$0x0] =	wrdreg $0x60  }
0xb0: {  	[dreg:$0x2] =	wrdreg s2  }
0xb1: {  	[dreg:$0x3] =	wrdreg s19  }
0xb2: {  	[dreg:$0x4] =	wrdreg s4  }
0xb3: {  	[dreg:$0x5] =	wrdreg $0x190000  }
0xb4: {  	[dreg:$0x6] =	wrdreg $0x0  }
0xb5: {  	[dreg:$0x7] =	wrdreg $0x9  }
0xb6: {  	_ =	task.clear_ibuf [dreg:s9], $0x8FFFF;
	_ =	strace $0x90000046  }
0xb7: {  	s29 =	simm.s32 $0x9;
	_ =	strace $0x80000048  }
0xb8: {  	_ =	swait.ge [sflag:s29], $0x1  }
0xb9: {  	[sflag:s29] =	ssyncadd.s32 $0xFFFFFFFF  }
0xba: {  	_ =	strace $0x90000048  }
0xbb: {  	_ =	sfence  }
0xbc: {  	s30 =	sld [smem:$0x0];
	_ =	sdelay $0x2  }
0xbd: {  	s31 =	sshll.u32 s1, $0xD;
	s1 =	sshrl.u32 s1, $0x2  }
0xbe: {  	s3 =	sand.u32 $0x4000, s31;
	s1 =	sadd.s32 s1, s30  }
0xbf: {  	s0 =	sor.u32 s3, s0;
	s1 =	sshll.u32 s1, $0x11  }
0xc0: {  	s0 =	sor.u32 s1, s0  }
0xc1: {  	s0 =	sadd.s32 $0x8F2B, s0  }
0xc2: {  	[sflag:s0] =	ssyncadd.remote.s32 $0x1  }
0xc3: {  	_ =	sfence.sel $0xFFFF  }
0xc4: {  	[dreg:$0x0] =	wrdreg $0xFFFFFFFF;
	(pc) =	sbr.abs _section_cstart, $3  }
0xc5: {  	[dreg:$0x1] =	wrdreg $0xFFFFFFFF  }
0xc6: {  	_ =	task.clear_ibuf [dreg:s9], $0x2FFFF;
	_ =	strace $0x9FFFFFFF  }
0xc7: {  	(tm) =	ssettm $0x7FFFFFFF  }
tec
execute0_lowered:
.L_overlay_start_1:
0x0: {  	(tag) =	ssettag $0x1  }
0x1: {  	s3 =	rddreg [dreg:$0x0];
	s0 =	srdreg.scid  }
0x2: {  	s2 =	rddreg [dreg:$0x4];
	s23 =	stileid.u32;
	s0 =	sand.u32 $0x1, s0  }
0x3: {  	s1 =	simm.s32 $0x0;
	s11 =	smul.u32 $0x32000, s23;
	s4 =	sshll.u32 s0, $0x4  }
0x4: {  	[smem:$0x7FF] =	sst s1;
	s5 =	ssub.s32 $0x2, s0;
	s8 =	sor.u32 s23, s4  }
0x5: {  	s6 =	sshrl.u32 s5, $0x1;
	s4 =	sshrl.u32 s11, $0x2;
	s7 =	smul.u32 $0x2EE00, s8  }
0x6: {  	s9 =	ssub.s32 s5, s6;
	s12 =	smul.u32 $0xBB80, s8;
	s2 =	sadd.s32 s4, s2  }
0x7: {  	s29 =	smul.u32 $0x5DC0, s8;
	p0 =	sgt.u32 s8, $0x13;
	s9 =	smax.u32 s9, $0x1  }
0x8: {  	s4 =	sadd.s32 $0x3200, s7;
	s6 =	sadd.s32 $0x6400, s7;
	s5 =	sadd.s32 s3, s12  }
0x9: {  	s11 =	sadd.s32 $0xC800, s7;
	s12 =	sadd.s32 $0xFA00, s7;
	s13 =	sshrl.u32 s4, $0x2  }
0xa: {  	[dreg:$0x6] =	wrdreg s5;
	s10 =	sshrl.u32 s6, $0x2;
	s5 =	sadd.s32 s3, s13  }
0xb: {  	s16 =	sshrl.u32 s11, $0x2;
	s14 =	sadd.s32 s3, s10;
	[dreg:$0x7] =	wrdreg s5  }
0xc: {  	s13 =	sshrl.u32 s12, $0x2;
	[dreg:$0x8] =	wrdreg s14;
	s5 =	sadd.s32 $0x9600, s7  }
0xd: {  	s17 =	sadd.s32 s3, s13;
	s14 =	sadd.s32 $0x15E00, s7;
	s15 =	sshrl.u32 s5, $0x2  }
0xe: {  	[dreg:$0xb] =	wrdreg s17;
	s19 =	sshrl.u32 s14, $0x2;
	s10 =	sadd.s32 s3, s15  }
0xf: {  	s15 =	sadd.s32 $0x19000, s7;
	[dreg:$0x9] =	wrdreg s10;
	s10 =	sadd.s32 s3, s16  }
0x10: {  	s16 =	sshrl.u32 s15, $0x2;
	[dreg:$0xa] =	wrdreg s10;
	s10 =	sadd.s32 $0x12C00, s7  }
0x11: {  	s17 =	sadd.s32 $0x1F400, s7;
	s20 =	sadd.s32 s3, s16;
	s18 =	sshrl.u32 s10, $0x2  }
0x12: {  	s22 =	sshrl.u32 s17, $0x2;
	[dreg:$0xe] =	wrdreg s20;
	s13 =	sadd.s32 s3, s18  }
0x13: {  	s18 =	sadd.s32 $0x22600, s7;
	[dreg:$0xc] =	wrdreg s13;
	s13 =	sadd.s32 s3, s19  }
0x14: {  	s19 =	sshrl.u32 s18, $0x2;
	[dreg:$0xd] =	wrdreg s13;
	s13 =	sadd.s32 $0x1C200, s7  }
0x15: {  	s20 =	sadd.s32 $0x28A00, s7;
	s24 =	sadd.s32 s3, s19;
	s21 =	sshrl.u32 s13, $0x2  }
0x16: {  	s26 =	sshrl.u32 s20, $0x2;
	[dreg:$0x11] =	wrdreg s24;
	s16 =	sadd.s32 s3, s21  }
0x17: {  	s20 =	sshrl.u32 s20, $0x3;
	[dreg:$0xf] =	wrdreg s16;
	s16 =	sadd.s32 s3, s22  }
0x18: {  	s24 =	sshrl.u32 s4, $0x3;
	[dreg:$0x10] =	wrdreg s16;
	s16 =	sadd.s32 $0x25800, s7  }
0x19: {  	s13 =	sshrl.u32 s13, $0x3;
	s7 =	sadd.s32 $0x2BC00, s7;
	s25 =	sshrl.u32 s16, $0x2  }
0x1a: {  	s21 =	smul.u32 $0x3200, s8;
	s28 =	sshrl.u32 s7, $0x2;
	s19 =	sadd.s32 s3, s25  }
0x1b: {  	[dreg:$0x12] =	wrdreg s19;
	s19 =	sadd.s32 s3, s26;
	s26 =	sshrl.u32 s6, $0x3  }
0x1c: {  	s6 =	sshrl.u32 s10, $0x3;
	s10 =	sshrl.u32 s14, $0x3;
	s14 =	sshrl.u32 s17, $0x3  }
0x1d: {  	s17 =	sshrl.u32 s16, $0x3;
	s16 =	simm.s32 $0x80;
	[dreg:$0x13] =	wrdreg s19  }
0x1e: {  	s19 =	sadd.s32 $0x5DC000, s21;
	s21 =	sadd.s32 s3, s28;
	s28 =	sshrl.u32 s5, $0x3  }
0x1f: {  	s5 =	sshrl.u32 s12, $0x3;
	s12 =	sshrl.u32 s15, $0x3;
	s15 =	sshrl.u32 s18, $0x3  }
0x20: {  	s18 =	smul.u32 $0x18800, s0;
	[dreg:$0x14] =	wrdreg s21;
	s22 =	sshrl.u32 s19, $0x2  }
0x21: {  	s21 =	sshrl.u32 s7, $0x3;
	s3 =	sadd.s32 s3, s22;
	s22 =	rddreg [dreg:$0x1]  }
0x22: {  	[dreg:$0x15] =	wrdreg s3;
	s25 =	sadd.s32 s22, s29;
	s3 =	sadd.s32 s22, s24  }
0x23: {  	s29 =	sshrl.u32 s11, $0x3;
	s11 =	sadd.s32 s22, s10;
	s30 =	sadd.s32 s22, s14  }
0x24: {  	s31 =	sadd.s32 s22, s15;
	s24 =	smul.u32 $0x1880, s23;
	s0 =	sadd.s32 s22, s17  }
0x25: {  	s14 =	simm.s32 $0x3;
	s15 =	simm.s32 $0x1;
	[dreg:$0x16] =	wrdreg s25  }
0x26: {  	s17 =	simm.s32 $0x100;
	s23 =	simm.s32 $0x0;
	[dreg:$0x17] =	wrdreg s3  }
0x27: {  	s3 =	sadd.s32 s22, s26;
	s4 =	sadd.s32 s22, s29;
	[dreg:$0x1d] =	wrdreg s11  }
0x28: {  	s25 =	sshrl.u32 s19, $0x3;
	s29 =	sadd.s32 $0x6400, s2;
	s11 =	sadd.s32 $0x80, s2  }
0x29: {  	s19 =	simm.s32 $0x3200;
	[dreg:$0x18] =	wrdreg s3;
	s3 =	sadd.s32 s22, s28  }
0x2a: {  	[dreg:$0x1a] =	wrdreg s4;
	s4 =	sadd.s32 s22, s21;
	s26 =	sadd.s32 s24, s18  }
0x2b: {  	s28 =	rddreg [dreg:$0x2];
	s10 =	sshrl.u32 s29, $0x3;
	s18 =	simm.s32 $0xC800  }
0x2c: {  	s21 =	simm.s32 $0xFA00;
	[dreg:$0x19] =	wrdreg s3;
	s3 =	sadd.s32 s22, s5  }
0x2d: {  	s5 =	sadd.s32 s22, s25;
	s7 =	sshrl.u32 s26, $0x3;
	[dreg:$0x1b] =	wrdreg s3  }
0x2e: {  	s3 =	sadd.s32 s22, s6;
	s6 =	rddreg [dreg:$0x3];
	s7 =	sadd.s32 s28, s7  }
0x2f: {  	[dreg:$0x1c] =	wrdreg s3;
	s3 =	sadd.s32 s22, s12;
	s8 =	sadd.s32 s24, s6  }
0x30: {  	s12 =	sadd.s32 $0x6480, s2;
	[dreg:$0x1e] =	wrdreg s3;
	s3 =	sadd.s32 s22, s13  }
0x31: {  	s13 =	simm.s32 $0x12C00;
	[dreg:$0x1f] =	wrdreg s3;
	s3 =	sadd.s32 s22, s20  }
0x32: {  	v0 =	vimm.f32 $0.0e+00;
	s20 =	simm.s32 $0x15E00;
	s22 =	simm.s32 $0x2;
	_ =	strace $0x80000047  }
.LBB2_1:
0x33: {  	s24 =	simm.s32 $0x12C40  }
0x34: {  	[tilespmem:s24+$0xFFFFFFC0] =	vst v0  }
0x35: {  	[tilespmem:s24+$0x30] =	vst v0  }
0x36: {  	[tilespmem:s24+$0x20] =	vst v0  }
0x37: {  	[tilespmem:s24+$0x10] =	vst v0  }
0x38: {  	[tilespmem:s24+$0x0] =	vst v0  }
0x39: {  	[tilespmem:s24+$0xFFFFFFF0] =	vst v0  }
0x3a: {  	s25 =	simm.s32 $0x0;
	[tilespmem:s24+$0xFFFFFFE0] =	vst v0  }
.LBB2_2:
0x3b: {  	s25 =	sadd.s32 $0x8, s25;
	[tilespmem:s24+$0xFFFFFFD0] =	vst v0;
	s24 =	sadd.s32 $0x80, s24  }
0x3c: {  	[tilespmem:s24+$0xFFFFFFC0] =	vst v0;
	p1 =	slt.u32 s25, $0x180  }
0x3d: {  	[tilespmem:s24+$0x30] =	vst v0  }
.Ltmp0:
0x3e: {  	[tilespmem:s24+$0x20] =	vst v0;
	(pc) =	sbr.rel @p1 .LBB2_2-.Ltmp0, $4  }
0x3f: {  	[tilespmem:s24+$0x10] =	vst v0  }
0x40: {  	[tilespmem:s24+$0x0] =	vst v0  }
0x41: {  	[tilespmem:s24+$0xFFFFFFF0] =	vst v0  }
0x42: {  	[tilespmem:s24+$0xFFFFFFE0] =	vst v0  }
0x43: {  	[tilespmem:s24+$0xFFFFFFD0] =	vst v0  }
0x44: {  	[spmem:s8] =	stream.linear.scatter [tilespmem:s13], [sflag:$0x3], $0x1880, $0x38;
	[tilespmem:$0x1A880] =	vst v63  }
0x45: {  	_ =	swait.ge [sflag:s14], $0x1880  }
0x46: {  	[sflag:s14] =	ssyncset.done $0x0  }
0x47: {  	s28 =	stileid.u32;
	[sflag:s14] =	ssyncadd.s32 $0xFFFFE780  }
0x48: {  	s24 =	sshll.u32 s28, $0x6;
	[bflag:$0x0] =	sbarrier.arrive $0xFFFF  }
0x49: {  	s26 =	sshrl.u32 s2, $0x3;
	s25 =	sor.u32 $0x1C01, s24;
	s28 =	rddreg [dreg:$0x6]  }
0x4a: {  	[spmem:s26], [sflag:s25] =	dma.local [hbm:s28], $0xC80  }
0x4b: {  	s28 =	rddreg [dreg:$0x16]  }
0x4c: {  	[tilespmem:s13], [sflag:$0x1] =	stream.linear.gather [hbm4b:s28+s1], $0x3200, $0x38;
	[tilespmem:$0x1A880] =	vst v63  }
0x4d: {  	_ =	swait.ge [sflag:s15], $0xC80  }
0x4e: {  	[sflag:s15] =	ssyncset.done $0x0  }
0x4f: {  	[sflag:s15] =	ssyncadd.s32 $0xFFFFF380  }
0x50: {  	_ =	swait.ge [sflag:s15], $0x3200  }
0x51: {  	[sflag:s15] =	ssyncset.done $0x0  }
0x52: {  	[sflag:s15] =	ssyncadd.s32 $0xFFFFCE00  }
0x53: {  	[tilespmem:s18], [sflag:$0x3] =	stream.strided.gather [spmem:s11], $0x3200, s17, s16, $0x38;
	[tilespmem:$0x1A880] =	vst v63  }
0x54: {  	_ =	swait.ge [sflag:s14], $0x3200  }
0x55: {  	[sflag:s14] =	ssyncset.done $0x0  }
0x56: {  	s29 =	rddreg [dreg:$0x7];
	[sflag:s14] =	ssyncadd.s32 $0xFFFFCE00  }
0x57: {  	[spmem:s6] =	stream.indirect.scatter.add.f32 [tilespmem:s13], [sflag:$0x2], $0x1, s18, s19, $0xb8;
	[tilespmem:$0x1A880] =	vst v63  }
0x58: {  	[spmem:s10], [sflag:s25] =	dma.local [hbm:s29], $0xC80  }
0x59: {  	s28 =	rddreg [dreg:$0x17]  }
0x5a: {  	[tilespmem:s20], [sflag:$0x1] =	stream.linear.gather [hbm4b:s28+s1], $0x3200, $0x38;
	[tilespmem:$0x1A880] =	vst v63  }
0x5b: {  	_ =	swait.ge [sflag:s15], $0xC80  }
0x5c: {  	[sflag:s15] =	ssyncset.done $0x0  }
0x5d: {  	[sflag:s15] =	ssyncadd.s32 $0xFFFFF380  }
0x5e: {  	_ =	swait.ge [sflag:s15], $0x3200  }
0x5f: {  	[sflag:s15] =	ssyncset.done $0x0  }
0x60: {  	[sflag:s15] =	ssyncadd.s32 $0xFFFFCE00  }
0x61: {  	[tilespmem:s21], [sflag:$0x3] =	stream.strided.gather [spmem:s12], $0x3200, s17, s16, $0x38;
	[tilespmem:$0x1A880] =	vst v63  }
0x62: {  	_ =	swait.ge [sflag:s14], $0x3200  }
0x63: {  	[sflag:s14] =	ssyncset.done $0x0  }
0x64: {  	[sflag:s14] =	ssyncadd.s32 $0xFFFFCE00  }
0x65: {  	_ =	swait.ge [sflag:s22], $0x3200  }
0x66: {  	[sflag:s22] =	ssyncset.done $0x0  }
0x67: {  	s29 =	rddreg [dreg:$0x8];
	[sflag:s22] =	ssyncadd.s32 $0xFFFFCE00  }
0x68: {  	[spmem:s6] =	stream.indirect.scatter.add.f32 [tilespmem:s20], [sflag:$0x2], $0x1, s21, s19, $0xb8;
	[tilespmem:$0x1A880] =	vst v63  }
0x69: {  	[spmem:s26], [sflag:s25] =	dma.local [hbm:s29], $0xC80  }
0x6a: {  	s28 =	rddreg [dreg:$0x18]  }
0x6b: {  	[tilespmem:s13], [sflag:$0x1] =	stream.linear.gather [hbm4b:s28+s1], $0x3200, $0x38;
	[tilespmem:$0x1A880] =	vst v63  }
0x6c: {  	_ =	swait.ge [sflag:s15], $0xC80  }
0x6d: {  	[sflag:s15] =	ssyncset.done $0x0  }
0x6e: {  	[sflag:s15] =	ssyncadd.s32 $0xFFFFF380  }
0x6f: {  	_ =	swait.ge [sflag:s15], $0x3200  }
0x70: {  	[sflag:s15] =	ssyncset.done $0x0  }
0x71: {  	[sflag:s15] =	ssyncadd.s32 $0xFFFFCE00  }
0x72: {  	[tilespmem:s18], [sflag:$0x3] =	stream.strided.gather [spmem:s11], $0x3200, s17, s16, $0x38;
	[tilespmem:$0x1A880] =	vst v63  }
0x73: {  	_ =	swait.ge [sflag:s14], $0x3200  }
0x74: {  	[sflag:s14] =	ssyncset.done $0x0  }
0x75: {  	[sflag:s14] =	ssyncadd.s32 $0xFFFFCE00  }
0x76: {  	_ =	swait.ge [sflag:s22], $0x3200  }
0x77: {  	[sflag:s22] =	ssyncset.done $0x0  }
0x78: {  	s29 =	rddreg [dreg:$0x9];
	[sflag:s22] =	ssyncadd.s32 $0xFFFFCE00  }
0x79: {  	[spmem:s6] =	stream.indirect.scatter.add.f32 [tilespmem:s13], [sflag:$0x2], $0x1, s18, s19, $0xb8;
	[tilespmem:$0x1A880] =	vst v63  }
0x7a: {  	[spmem:s10], [sflag:s25] =	dma.local [hbm:s29], $0xC80  }
0x7b: {  	s28 =	rddreg [dreg:$0x19]  }
0x7c: {  	[tilespmem:s20], [sflag:$0x1] =	stream.linear.gather [hbm4b:s28+s1], $0x3200, $0x38;
	[tilespmem:$0x1A880] =	vst v63  }
0x7d: {  	_ =	swait.ge [sflag:s15], $0xC80  }
0x7e: {  	[sflag:s15] =	ssyncset.done $0x0  }
0x7f: {  	[sflag:s15] =	ssyncadd.s32 $0xFFFFF380  }
0x80: {  	_ =	swait.ge [sflag:s15], $0x3200  }
0x81: {  	[sflag:s15] =	ssyncset.done $0x0  }
0x82: {  	[sflag:s15] =	ssyncadd.s32 $0xFFFFCE00  }
0x83: {  	[tilespmem:s21], [sflag:$0x3] =	stream.strided.gather [spmem:s12], $0x3200, s17, s16, $0x38;
	[tilespmem:$0x1A880] =	vst v63  }
0x84: {  	_ =	swait.ge [sflag:s14], $0x3200  }
0x85: {  	[sflag:s14] =	ssyncset.done $0x0  }
0x86: {  	[sflag:s14] =	ssyncadd.s32 $0xFFFFCE00  }
0x87: {  	_ =	swait.ge [sflag:s22], $0x3200  }
0x88: {  	[sflag:s22] =	ssyncset.done $0x0  }
0x89: {  	s29 =	rddreg [dreg:$0xa];
	[sflag:s22] =	ssyncadd.s32 $0xFFFFCE00  }
0x8a: {  	[spmem:s6] =	stream.indirect.scatter.add.f32 [tilespmem:s20], [sflag:$0x2], $0x1, s21, s19, $0xb8;
	[tilespmem:$0x1A880] =	vst v63  }
0x8b: {  	[spmem:s26], [sflag:s25] =	dma.local [hbm:s29], $0xC80  }
0x8c: {  	s28 =	rddreg [dreg:$0x1a]  }
0x8d: {  	[tilespmem:s13], [sflag:$0x1] =	stream.linear.gather [hbm4b:s28+s1], $0x3200, $0x38;
	[tilespmem:$0x1A880] =	vst v63  }
0x8e: {  	_ =	swait.ge [sflag:s15], $0xC80  }
0x8f: {  	[sflag:s15] =	ssyncset.done $0x0  }
0x90: {  	[sflag:s15] =	ssyncadd.s32 $0xFFFFF380  }
0x91: {  	_ =	swait.ge [sflag:s15], $0x3200  }
0x92: {  	[sflag:s15] =	ssyncset.done $0x0  }
0x93: {  	[sflag:s15] =	ssyncadd.s32 $0xFFFFCE00  }
0x94: {  	[tilespmem:s18], [sflag:$0x3] =	stream.strided.gather [spmem:s11], $0x3200, s17, s16, $0x38;
	[tilespmem:$0x1A880] =	vst v63  }
0x95: {  	_ =	swait.ge [sflag:s14], $0x3200  }
0x96: {  	[sflag:s14] =	ssyncset.done $0x0  }
0x97: {  	[sflag:s14] =	ssyncadd.s32 $0xFFFFCE00  }
0x98: {  	_ =	swait.ge [sflag:s22], $0x3200  }
0x99: {  	[sflag:s22] =	ssyncset.done $0x0  }
0x9a: {  	s29 =	rddreg [dreg:$0xb];
	[sflag:s22] =	ssyncadd.s32 $0xFFFFCE00  }
0x9b: {  	[spmem:s6] =	stream.indirect.scatter.add.f32 [tilespmem:s13], [sflag:$0x2], $0x1, s18, s19, $0xb8;
	[tilespmem:$0x1A880] =	vst v63  }
0x9c: {  	[spmem:s10], [sflag:s25] =	dma.local [hbm:s29], $0xC80  }
0x9d: {  	s28 =	rddreg [dreg:$0x1b]  }
0x9e: {  	[tilespmem:s20], [sflag:$0x1] =	stream.linear.gather [hbm4b:s28+s1], $0x3200, $0x38;
	[tilespmem:$0x1A880] =	vst v63  }
0x9f: {  	_ =	swait.ge [sflag:s15], $0xC80  }
0xa0: {  	[sflag:s15] =	ssyncset.done $0x0  }
0xa1: {  	[sflag:s15] =	ssyncadd.s32 $0xFFFFF380  }
0xa2: {  	_ =	swait.ge [sflag:s15], $0x3200  }
0xa3: {  	[sflag:s15] =	ssyncset.done $0x0  }
0xa4: {  	[sflag:s15] =	ssyncadd.s32 $0xFFFFCE00  }
0xa5: {  	[tilespmem:s21], [sflag:$0x3] =	stream.strided.gather [spmem:s12], $0x3200, s17, s16, $0x38;
	[tilespmem:$0x1A880] =	vst v63  }
0xa6: {  	_ =	swait.ge [sflag:s14], $0x3200  }
0xa7: {  	[sflag:s14] =	ssyncset.done $0x0  }
0xa8: {  	[sflag:s14] =	ssyncadd.s32 $0xFFFFCE00  }
0xa9: {  	_ =	swait.ge [sflag:s22], $0x3200  }
0xaa: {  	[sflag:s22] =	ssyncset.done $0x0  }
0xab: {  	s29 =	rddreg [dreg:$0xc];
	[sflag:s22] =	ssyncadd.s32 $0xFFFFCE00  }
0xac: {  	[spmem:s6] =	stream.indirect.scatter.add.f32 [tilespmem:s20], [sflag:$0x2], $0x1, s21, s19, $0xb8;
	[tilespmem:$0x1A880] =	vst v63  }
0xad: {  	[spmem:s26], [sflag:s25] =	dma.local [hbm:s29], $0xC80  }
0xae: {  	s28 =	rddreg [dreg:$0x1c]  }
0xaf: {  	[tilespmem:s13], [sflag:$0x1] =	stream.linear.gather [hbm4b:s28+s1], $0x3200, $0x38;
	[tilespmem:$0x1A880] =	vst v63  }
0xb0: {  	_ =	swait.ge [sflag:s15], $0xC80  }
0xb1: {  	[sflag:s15] =	ssyncset.done $0x0  }
0xb2: {  	[sflag:s15] =	ssyncadd.s32 $0xFFFFF380  }
0xb3: {  	_ =	swait.ge [sflag:s15], $0x3200  }
0xb4: {  	[sflag:s15] =	ssyncset.done $0x0  }
0xb5: {  	[sflag:s15] =	ssyncadd.s32 $0xFFFFCE00  }
0xb6: {  	[tilespmem:s18], [sflag:$0x3] =	stream.strided.gather [spmem:s11], $0x3200, s17, s16, $0x38;
	[tilespmem:$0x1A880] =	vst v63  }
0xb7: {  	_ =	swait.ge [sflag:s14], $0x3200  }
0xb8: {  	[sflag:s14] =	ssyncset.done $0x0  }
0xb9: {  	[sflag:s14] =	ssyncadd.s32 $0xFFFFCE00  }
0xba: {  	_ =	swait.ge [sflag:s22], $0x3200  }
0xbb: {  	[sflag:s22] =	ssyncset.done $0x0  }
0xbc: {  	s29 =	rddreg [dreg:$0xd];
	[sflag:s22] =	ssyncadd.s32 $0xFFFFCE00  }
0xbd: {  	[spmem:s6] =	stream.indirect.scatter.add.f32 [tilespmem:s13], [sflag:$0x2], $0x1, s18, s19, $0xb8;
	[tilespmem:$0x1A880] =	vst v63  }
0xbe: {  	[spmem:s10], [sflag:s25] =	dma.local [hbm:s29], $0xC80  }
0xbf: {  	s28 =	rddreg [dreg:$0x1d]  }
0xc0: {  	[tilespmem:s20], [sflag:$0x1] =	stream.linear.gather [hbm4b:s28+s1], $0x3200, $0x38;
	[tilespmem:$0x1A880] =	vst v63  }
0xc1: {  	_ =	swait.ge [sflag:s15], $0xC80  }
0xc2: {  	[sflag:s15] =	ssyncset.done $0x0  }
0xc3: {  	[sflag:s15] =	ssyncadd.s32 $0xFFFFF380  }
0xc4: {  	_ =	swait.ge [sflag:s15], $0x3200  }
0xc5: {  	[sflag:s15] =	ssyncset.done $0x0  }
0xc6: {  	[sflag:s15] =	ssyncadd.s32 $0xFFFFCE00  }
0xc7: {  	[tilespmem:s21], [sflag:$0x3] =	stream.strided.gather [spmem:s12], $0x3200, s17, s16, $0x38;
	[tilespmem:$0x1A880] =	vst v63  }
0xc8: {  	_ =	swait.ge [sflag:s14], $0x3200  }
0xc9: {  	[sflag:s14] =	ssyncset.done $0x0  }
0xca: {  	[sflag:s14] =	ssyncadd.s32 $0xFFFFCE00  }
0xcb: {  	_ =	swait.ge [sflag:s22], $0x3200  }
0xcc: {  	[sflag:s22] =	ssyncset.done $0x0  }
0xcd: {  	s29 =	rddreg [dreg:$0xe];
	[sflag:s22] =	ssyncadd.s32 $0xFFFFCE00  }
0xce: {  	[spmem:s6] =	stream.indirect.scatter.add.f32 [tilespmem:s20], [sflag:$0x2], $0x1, s21, s19, $0xb8;
	[tilespmem:$0x1A880] =	vst v63  }
0xcf: {  	[spmem:s26], [sflag:s25] =	dma.local [hbm:s29], $0xC80  }
0xd0: {  	s28 =	rddreg [dreg:$0x1e]  }
0xd1: {  	[tilespmem:s13], [sflag:$0x1] =	stream.linear.gather [hbm4b:s28+s1], $0x3200, $0x38;
	[tilespmem:$0x1A880] =	vst v63  }
0xd2: {  	_ =	swait.ge [sflag:s15], $0xC80  }
0xd3: {  	[sflag:s15] =	ssyncset.done $0x0  }
0xd4: {  	[sflag:s15] =	ssyncadd.s32 $0xFFFFF380  }
0xd5: {  	_ =	swait.ge [sflag:s15], $0x3200  }
0xd6: {  	[sflag:s15] =	ssyncset.done $0x0  }
0xd7: {  	[sflag:s15] =	ssyncadd.s32 $0xFFFFCE00  }
0xd8: {  	[tilespmem:s18], [sflag:$0x3] =	stream.strided.gather [spmem:s11], $0x3200, s17, s16, $0x38;
	[tilespmem:$0x1A880] =	vst v63  }
0xd9: {  	_ =	swait.ge [sflag:s14], $0x3200  }
0xda: {  	[sflag:s14] =	ssyncset.done $0x0  }
0xdb: {  	[sflag:s14] =	ssyncadd.s32 $0xFFFFCE00  }
0xdc: {  	_ =	swait.ge [sflag:s22], $0x3200  }
0xdd: {  	[sflag:s22] =	ssyncset.done $0x0  }
0xde: {  	s29 =	rddreg [dreg:$0xf];
	[sflag:s22] =	ssyncadd.s32 $0xFFFFCE00  }
0xdf: {  	[spmem:s6] =	stream.indirect.scatter.add.f32 [tilespmem:s13], [sflag:$0x2], $0x1, s18, s19, $0xb8;
	[tilespmem:$0x1A880] =	vst v63  }
0xe0: {  	[spmem:s10], [sflag:s25] =	dma.local [hbm:s29], $0xC80  }
0xe1: {  	s28 =	rddreg [dreg:$0x1f]  }
0xe2: {  	[tilespmem:s20], [sflag:$0x1] =	stream.linear.gather [hbm4b:s28+s1], $0x3200, $0x38;
	[tilespmem:$0x1A880] =	vst v63  }
0xe3: {  	_ =	swait.ge [sflag:s15], $0xC80  }
0xe4: {  	[sflag:s15] =	ssyncset.done $0x0  }
0xe5: {  	[sflag:s15] =	ssyncadd.s32 $0xFFFFF380  }
0xe6: {  	_ =	swait.ge [sflag:s15], $0x3200  }
0xe7: {  	[sflag:s15] =	ssyncset.done $0x0  }
0xe8: {  	[sflag:s15] =	ssyncadd.s32 $0xFFFFCE00  }
0xe9: {  	[tilespmem:s21], [sflag:$0x3] =	stream.strided.gather [spmem:s12], $0x3200, s17, s16, $0x38;
	[tilespmem:$0x1A880] =	vst v63  }
0xea: {  	_ =	swait.ge [sflag:s14], $0x3200  }
0xeb: {  	[sflag:s14] =	ssyncset.done $0x0  }
0xec: {  	[sflag:s14] =	ssyncadd.s32 $0xFFFFCE00  }
0xed: {  	_ =	swait.ge [sflag:s22], $0x3200  }
0xee: {  	[sflag:s22] =	ssyncset.done $0x0  }
0xef: {  	s29 =	rddreg [dreg:$0x10];
	[sflag:s22] =	ssyncadd.s32 $0xFFFFCE00  }
0xf0: {  	[spmem:s6] =	stream.indirect.scatter.add.f32 [tilespmem:s20], [sflag:$0x2], $0x1, s21, s19, $0xb8;
	[tilespmem:$0x1A880] =	vst v63  }
0xf1: {  	[spmem:s26], [sflag:s25] =	dma.local [hbm:s29], $0xC80  }
0xf2: {  	[tilespmem:s13], [sflag:$0x1] =	stream.linear.gather [hbm4b:s30+s1], $0x3200, $0x38;
	[tilespmem:$0x1A880] =	vst v63  }
0xf3: {  	_ =	swait.ge [sflag:s15], $0xC80  }
0xf4: {  	[sflag:s15] =	ssyncset.done $0x0  }
0xf5: {  	[sflag:s15] =	ssyncadd.s32 $0xFFFFF380  }
0xf6: {  	_ =	swait.ge [sflag:s15], $0x3200  }
0xf7: {  	[sflag:s15] =	ssyncset.done $0x0  }
0xf8: {  	[sflag:s15] =	ssyncadd.s32 $0xFFFFCE00  }
0xf9: {  	[tilespmem:s18], [sflag:$0x3] =	stream.strided.gather [spmem:s11], $0x3200, s17, s16, $0x38;
	[tilespmem:$0x1A880] =	vst v63  }
0xfa: {  	_ =	swait.ge [sflag:s14], $0x3200  }
0xfb: {  	[sflag:s14] =	ssyncset.done $0x0  }
0xfc: {  	[sflag:s14] =	ssyncadd.s32 $0xFFFFCE00  }
0xfd: {  	_ =	swait.ge [sflag:s22], $0x3200  }
0xfe: {  	[sflag:s22] =	ssyncset.done $0x0  }
0xff: {  	s29 =	rddreg [dreg:$0x11];
	[sflag:s22] =	ssyncadd.s32 $0xFFFFCE00  }
0x100: {  	[spmem:s6] =	stream.indirect.scatter.add.f32 [tilespmem:s13], [sflag:$0x2], $0x1, s18, s19, $0xb8;
	[tilespmem:$0x1A880] =	vst v63  }
0x101: {  	[spmem:s10], [sflag:s25] =	dma.local [hbm:s29], $0xC80  }
0x102: {  	[tilespmem:s20], [sflag:$0x1] =	stream.linear.gather [hbm4b:s31+s1], $0x3200, $0x38;
	[tilespmem:$0x1A880] =	vst v63  }
0x103: {  	_ =	swait.ge [sflag:s15], $0xC80  }
0x104: {  	[sflag:s15] =	ssyncset.done $0x0  }
0x105: {  	[sflag:s15] =	ssyncadd.s32 $0xFFFFF380  }
0x106: {  	_ =	swait.ge [sflag:s15], $0x3200  }
0x107: {  	[sflag:s15] =	ssyncset.done $0x0  }
0x108: {  	[sflag:s15] =	ssyncadd.s32 $0xFFFFCE00  }
0x109: {  	[tilespmem:s21], [sflag:$0x3] =	stream.strided.gather [spmem:s12], $0x3200, s17, s16, $0x38;
	[tilespmem:$0x1A880] =	vst v63  }
0x10a: {  	_ =	swait.ge [sflag:s14], $0x3200  }
0x10b: {  	[sflag:s14] =	ssyncset.done $0x0  }
0x10c: {  	[sflag:s14] =	ssyncadd.s32 $0xFFFFCE00  }
0x10d: {  	_ =	swait.ge [sflag:s22], $0x3200  }
0x10e: {  	[sflag:s22] =	ssyncset.done $0x0  }
0x10f: {  	s29 =	rddreg [dreg:$0x12];
	[sflag:s22] =	ssyncadd.s32 $0xFFFFCE00  }
0x110: {  	[spmem:s6] =	stream.indirect.scatter.add.f32 [tilespmem:s20], [sflag:$0x2], $0x1, s21, s19, $0xb8;
	[tilespmem:$0x1A880] =	vst v63  }
0x111: {  	[spmem:s26], [sflag:s25] =	dma.local [hbm:s29], $0xC80  }
0x112: {  	[tilespmem:s13], [sflag:$0x1] =	stream.linear.gather [hbm4b:s0+s1], $0x3200, $0x38;
	[tilespmem:$0x1A880] =	vst v63  }
0x113: {  	_ =	swait.ge [sflag:s15], $0xC80  }
0x114: {  	[sflag:s15] =	ssyncset.done $0x0  }
0x115: {  	[sflag:s15] =	ssyncadd.s32 $0xFFFFF380  }
0x116: {  	_ =	swait.ge [sflag:s15], $0x3200  }
0x117: {  	[sflag:s15] =	ssyncset.done $0x0  }
0x118: {  	[sflag:s15] =	ssyncadd.s32 $0xFFFFCE00  }
0x119: {  	[tilespmem:s18], [sflag:$0x3] =	stream.strided.gather [spmem:s11], $0x3200, s17, s16, $0x38;
	[tilespmem:$0x1A880] =	vst v63  }
0x11a: {  	_ =	swait.ge [sflag:s14], $0x3200  }
0x11b: {  	[sflag:s14] =	ssyncset.done $0x0  }
0x11c: {  	[sflag:s14] =	ssyncadd.s32 $0xFFFFCE00  }
0x11d: {  	_ =	swait.ge [sflag:s22], $0x3200  }
0x11e: {  	[sflag:s22] =	ssyncset.done $0x0  }
0x11f: {  	s29 =	rddreg [dreg:$0x13];
	[sflag:s22] =	ssyncadd.s32 $0xFFFFCE00  }
0x120: {  	[spmem:s6] =	stream.indirect.scatter.add.f32 [tilespmem:s13], [sflag:$0x2], $0x1, s18, s19, $0xb8;
	[tilespmem:$0x1A880] =	vst v63  }
0x121: {  	[spmem:s10], [sflag:s25] =	dma.local [hbm:s29], $0xC80  }
0x122: {  	[tilespmem:s20], [sflag:$0x1] =	stream.linear.gather [hbm4b:s3+s1], $0x3200, $0x38;
	[tilespmem:$0x1A880] =	vst v63  }
0x123: {  	_ =	swait.ge [sflag:s15], $0xC80  }
0x124: {  	[sflag:s15] =	ssyncset.done $0x0  }
0x125: {  	[sflag:s15] =	ssyncadd.s32 $0xFFFFF380  }
0x126: {  	_ =	swait.ge [sflag:s15], $0x3200  }
0x127: {  	[sflag:s15] =	ssyncset.done $0x0  }
0x128: {  	[sflag:s15] =	ssyncadd.s32 $0xFFFFCE00  }
0x129: {  	[tilespmem:s21], [sflag:$0x3] =	stream.strided.gather [spmem:s12], $0x3200, s17, s16, $0x38;
	[tilespmem:$0x1A880] =	vst v63  }
0x12a: {  	_ =	swait.ge [sflag:s14], $0x3200  }
0x12b: {  	[sflag:s14] =	ssyncset.done $0x0  }
0x12c: {  	[sflag:s14] =	ssyncadd.s32 $0xFFFFCE00  }
0x12d: {  	_ =	swait.ge [sflag:s22], $0x3200  }
0x12e: {  	[sflag:s22] =	ssyncset.done $0x0  }
0x12f: {  	s29 =	rddreg [dreg:$0x14];
	[sflag:s22] =	ssyncadd.s32 $0xFFFFCE00  }
0x130: {  	[spmem:s6] =	stream.indirect.scatter.add.f32 [tilespmem:s20], [sflag:$0x2], $0x1, s21, s19, $0xb8;
	[tilespmem:$0x1A880] =	vst v63  }
0x131: {  	[spmem:s26], [sflag:s25] =	dma.local [hbm:s29], $0xC80  }
0x132: {  	[tilespmem:s13], [sflag:$0x1] =	stream.linear.gather [hbm4b:s4+s1], $0x3200, $0x38;
	[tilespmem:$0x1A880] =	vst v63  }
0x133: {  	_ =	swait.ge [sflag:s15], $0xC80  }
0x134: {  	[sflag:s15] =	ssyncset.done $0x0  }
0x135: {  	[sflag:s15] =	ssyncadd.s32 $0xFFFFF380  }
0x136: {  	_ =	swait.ge [sflag:s15], $0x3200  }
0x137: {  	[sflag:s15] =	ssyncset.done $0x0  }
0x138: {  	[sflag:s15] =	ssyncadd.s32 $0xFFFFCE00  }
0x139: {  	[tilespmem:s18], [sflag:$0x3] =	stream.strided.gather [spmem:s11], $0x3200, s17, s16, $0x38;
	[tilespmem:$0x1A880] =	vst v63  }
0x13a: {  	_ =	swait.ge [sflag:s14], $0x3200  }
0x13b: {  	[sflag:s14] =	ssyncset.done $0x0  }
0x13c: {  	[sflag:s14] =	ssyncadd.s32 $0xFFFFCE00  }
0x13d: {  	_ =	swait.ge [sflag:s22], $0x3200  }
0x13e: {  	[sflag:s22] =	ssyncset.done $0x0  }
0x13f: {  	[sflag:s22] =	ssyncadd.s32 $0xFFFFCE00  }
0x140: {  	[spmem:s6] =	stream.indirect.scatter.add.f32 [tilespmem:s13], [sflag:$0x2], $0x1, s18, s19, $0xb8;
	[tilespmem:$0x1A880] =	vst v63  }
0x141: {  	_ =	swait.ge [sflag:s22], $0x3200  }
0x142: {  	[sflag:s22] =	ssyncset.done $0x0  }
0x143: {  	s26 =	sshrl.u32 @!p0 s2, $0x3;
	s28 =	rddreg [dreg:$0x15];
	[sflag:s22] =	ssyncadd.s32 $0xFFFFCE00  }
0x144: {  	[spmem:s26], [sflag:s25] =	dma.local @!p0 [hbm:s28], $0xC80  }
0x145: {  	s25 =	simm.s32 @!p0 $0x0;
	s26 =	simm.s32 @!p0 $0x12C00  }
0x146: {  	[tilespmem:s26], [sflag:$0x1] =	stream.linear.gather @!p0 [hbm4b:s5+s25], $0x3200, $0x38;
	[tilespmem:$0x1A880] =	vst v63  }
0x147: {  	s25 =	simm.s32 @!p0 $0x1  }
0x148: {  	_ =	swait.ge @!p0 [sflag:s25], $0xC80  }
0x149: {  	[sflag:s25] =	ssyncset.done @!p0 $0x0  }
0x14a: {  	[sflag:s25] =	ssyncadd.s32 @!p0 $0xFFFFF380  }
0x14b: {  	_ =	swait.ge @!p0 [sflag:s25], $0x3200  }
0x14c: {  	s29 =	simm.s32 @!p0 $0xC800;
	[sflag:s25] =	ssyncset.done @!p0 $0x0  }
0x14d: {  	s28 =	simm.s32 @!p0 $0x100;
	[sflag:s25] =	ssyncadd.s32 @!p0 $0xFFFFCE00;
	s25 =	simm.s32 @!p0 $0x80  }
0x14e: {  	[tilespmem:s29], [sflag:$0x3] =	stream.strided.gather @!p0 [spmem:s11], $0x3200, s28, s25, $0x38;
	[tilespmem:$0x1A880] =	vst v63  }
0x14f: {  	s25 =	simm.s32 @!p0 $0x3  }
0x150: {  	_ =	swait.ge @!p0 [sflag:s25], $0x3200  }
0x151: {  	[sflag:s25] =	ssyncset.done @!p0 $0x0  }
0x152: {  	[sflag:s25] =	ssyncadd.s32 @!p0 $0xFFFFCE00;
	s25 =	simm.s32 @!p0 $0x3200  }
0x153: {  	[spmem:s6] =	stream.indirect.scatter.add.f32 @!p0 [tilespmem:s26], [sflag:$0x2], $0x1, s29, s25, $0xb8;
	[tilespmem:$0x1A880] =	vst v63  }
0x154: {  	s25 =	simm.s32 @!p0 $0x2  }
0x155: {  	_ =	swait.ge @!p0 [sflag:s25], $0x3200  }
0x156: {  	s23 =	sadd.s32 $0x1, s23;
	[sflag:s25] =	ssyncset.done @!p0 $0x0  }
0x157: {  	p1 =	sne.s32 s23, s9;
	s24 =	sor.u32 $0x1C03, s24;
	[sflag:s25] =	ssyncadd.s32 @!p0 $0xFFFFCE00  }
.Ltmp1:
0x158: {  	s29 =	sshrl.u32 s8, $0x3;
	[bflag:$0x0] =	sbarrier.arrive $0xFFFF;
	(pc) =	sbr.rel @p1 .LBB2_1-.Ltmp1, $4  }
0x159: {  	[hbm:s7], [sflag:s24] =	dma.local [spmem:s29], $0x310  }
0x15a: {  	_ =	swait.ge [sflag:s14], $0x310  }
0x15b: {  	[sflag:s14] =	ssyncset.done $0x0  }
0x15c: {  	[sflag:s14] =	ssyncadd.s32 $0xFFFFFCF0  }
0x15d: {  	_ =	sfence.sel $0x180000  }
0x15e: {  	[bflag:$0x0] =	sbarrier.arrive $0xFFFF  }
0x15f: {  	_ =	strace $0x90000047  }
0x160: {  	s0 =	stileid.u32;
	[bflag:$0x2] =	sbarrier.arrive $0xFFFF  }
0x161: {  	p0 =	sne.s32 s0, $0x0;
	s0 =	rddreg [dreg:$0x5]  }
0x162: {  	s0 =	sadd.s32 @!p0 $0x100000, s0  }
0x163: {  	[sflag:s0] =	ssyncadd.tile.s32 @!p0 $0x1;
	_ =	shalt  }
.Lfunc_end2:
_tile_overlayer_lowered:
.L_overlay_start_2:
0x164: {  	(tag) =	ssettag $0x2  }
0x165: {  	s0 =	rddreg [dreg:$0x0];
	s2 =	stileid.u32  }
0x166: {  	s1 =	rddreg [dreg:$0x1];
	p0 =	sne.s32 s2, $0x0  }
0x167: {  	s3 =	rddreg [dreg:$0x2];
	[bflag:$0x3] =	sbarrier.arrive $0xFFFF;
	s2 =	simm.s32 @!p0 $0x1C03  }
0x168: {  	[timem:s3], [sflag:s2] =	dma.local @!p0 [hbm:s0], s1  }
0x169: {  	s0 =	simm.s32 @!p0 $0x3  }
0x16a: {  	_ =	swait.ge @!p0 [sflag:s0], s1  }
0x16b: {  	s1 =	ssub.s32 @!p0 $0x0, s1;
	[sflag:s0] =	ssyncset.done @!p0 $0x0  }
0x16c: {  	[sflag:s0] =	ssyncadd.s32 @!p0 s1  }
0x16d: {  	[bflag:$0x3] =	sbarrier.arrive $0xFFFF  }
0x16e: {  	_ =	shalt  }

// kernel: kernel.7.cloned.1.call-start
scs
__scs_entry_jumppad:
0x0: {  	(pc) =	sbr.rel $0x88, $3  }
0x1: {  	(tag) =	ssettag $0x0;
	lr =	simm.s32 $0x1  }
0x2: {  	[smem:$0x3F9E] =	sst lr;
	_ =	strace $0xD0000000  }
0x3: {  	_ = 	snop  }
0x4: {  	_ = 	snop  }
0x5: {  	_ = 	snop  }
0x6: {  	_ = 	snop  }
0x7: {  	_ = 	snop  }
__scs_overlays_trampoline_lowered:
0x8: {  	[smem:$0x3FAD] =	sst s0  }
0x9: {  	[smem:$0x3FAE] =	sst s1  }
0xa: {  	[smem:$0x3FAF] =	sst s2  }
0xb: {  	[smem:$0x3FB0] =	sst s3  }
0xc: {  	[smem:$0x3FB1] =	sst s4  }
0xd: {  	[smem:$0x3FB2] =	sst s5  }
0xe: {  	[smem:$0x3FB3] =	sst s6  }
0xf: {  	[smem:$0x3FB4] =	sst s7  }
0x10: {  	[smem:$0x3FB5] =	sst s8  }
0x11: {  	[smem:$0x3FB6] =	sst s9;
	s0 =	simm.s32 @!p0 $0x0  }
0x12: {  	s1 =	sld [smem:$0x3F9C];
	s0 =	simm.s32 @p0 $0x1  }
0x13: {  	[smem:$0x3FB7] =	sst s0;
	s0 =	simm.s32 @!p1 $0x0  }
0x14: {  	s2 =	sld [smem:$0x3F9B];
	s0 =	simm.s32 @p1 $0x1  }
0x15: {  	[smem:$0x3FB8] =	sst s0;
	s0 =	simm.s32 @!p2 $0x0  }
0x16: {  	s3 =	sld [smem:$0x3FDB];
	s0 =	simm.s32 @p2 $0x1  }
0x17: {  	s4 =	simm.s32 $0x1BF5;
	[smem:$0x3FBA] =	sst s0  }
0x18: {  	s0 =	sld [smem:$0x3F9D];
	_ =	swait.ge [sflag:s4], $0x0  }
0x19: {  	s7 =	sld [smem:$0x3F9E]  }
0x1a: {  	s8 =	sadd.s32 $0xFFFFE003, lr  }
0x1b: {  	s9 =	sadd.s32 $0xFFFFFEF7, lr;
	s5 =	simm.s32 $0xFFFFFFFF;
	p2 =	slt.u32 s8, $0xFFFFF086  }
0x1c: {  	p1 =	slt.u32 s9, $0xF7A;
	s5 =	simm.s32 @!p2 $0x0  }
0x1d: {  	s5 =	simm.s32 @p1 $0x1;
	p0 =	seq.s32 s7, s2  }
0x1e: {  	s7 =	smul.u32 @!p0 $0xF7A, s2;
	p2 =	seq.s32 @!p0 s5, $0x0  }
0x1f: {  	s9 =	smul.u32 $0xF7A, s1;
	s8 =	simm.s32 @!p0 $0x1BF5;
	p2 =	por !p2, p0  }
0x20: {  	[sflag:s8] =	ssyncset.s32 @!p0 $0xFFFFF086;
	s6 =	sadd.s32 @!p0 s3, s7;
	s7 =	simm.s32 @!p0 $0x108  }
0x21: {  	s3 =	sadd.s32 s3, s9;
	s6 =	sadd.s32 @!p0 $0x88, s6;
	s7 =	simm.s32 @p2 $0x1082  }
0x22: {  	[simem:s7], [sflag:s8] =	dma.local @!p0 [hbm:s6], $0xF7A  }
0x23: {  	s9 =	sor.u32 $0xD0000000, s2;
	s6 =	simm.s32 $0x108;
	_ =	swait.ge @!p0 [sflag:s8], $0x0  }
0x24: {  	s3 =	sadd.s32 $0x88, s3;
	s6 =	simm.s32 @!p1 $0x1082;
	[sflag:s4] =	ssyncset.s32 $0xFFFFF086  }
0x25: {  	[simem:s6], [sflag:s4] =	dma.local [hbm:s3], $0xF7A  }
0x26: {  	[smem:$0x3F9E] =	sst s1;
	(tag) =	ssettag s2;
	_ =	strace s9  }
0x27: {  	s1 =	sld [smem:$0x3FAE]  }
0x28: {  	s2 =	sld [smem:$0x3FAF]  }
0x29: {  	s4 =	sld [smem:$0x3FB1]  }
0x2a: {  	p0 =	seq.s32 s5, $0x0;
	s5 =	sld [smem:$0x3FB2]  }
0x2b: {  	s6 =	sld [smem:$0x3FB3]  }
0x2c: {  	s7 =	sld [smem:$0x3FB4]  }
0x2d: {  	s3 =	simm.s32 $0x108;
	s8 =	sld [smem:$0x3FB5]  }
0x2e: {  	s3 =	simm.s32 @!p0 $0x1082;
	s9 =	sld [smem:$0x3FB6]  }
0x2f: {  	lr =	sadd.s32 s0, s3;
	s0 =	sld [smem:$0x3FAD]  }
0x30: {  	s3 =	sld [smem:$0x3FB0]  }
0x31: {  	[smem:$0x3FB9] =	sst s10  }
0x32: {  	s10 =	sld [smem:$0x3FB7];
	_ =	sdelay $0x3  }
0x33: {  	p0 =	seq.s32 s10, $0x1;
	s10 =	sld [smem:$0x3FB9];
	_ =	sdelay $0x3  }
0x34: {  	[smem:$0x3FB9] =	sst s10  }
0x35: {  	s10 =	sld [smem:$0x3FB8];
	_ =	sdelay $0x3  }
0x36: {  	p1 =	seq.s32 s10, $0x1;
	s10 =	sld [smem:$0x3FB9];
	_ =	sdelay $0x3  }
0x37: {  	[smem:$0x3FB9] =	sst s10  }
0x38: {  	s10 =	sld [smem:$0x3FBA]  }
0x39: {  	_ = 	snop;
	(pc) =	sbr.ind lr, $3  }
0x3a: {  	_ = 	snop  }
0x3b: {  	_ = 	snop  }
0x3c: {  	p2 =	seq.s32 s10, $0x1;
	s10 =	sld [smem:$0x3FB9]  }
0x3d: {  	_ =	shalt  }
0x3e: {  	_ =	shalt  }
0x3f: {  	_ =	shalt  }
0x40: {  	_ =	shalt  }
0x41: {  	_ =	shalt  }
0x42: {  	_ =	shalt  }
0x43: {  	_ =	shalt  }
0x44: {  	_ =	shalt  }
0x45: {  	_ =	shalt  }
0x46: {  	_ =	shalt  }
0x47: {  	_ =	shalt  }
0x48: {  	_ =	shalt  }
0x49: {  	_ =	shalt  }
0x4a: {  	_ =	shalt  }
0x4b: {  	_ =	shalt  }
0x4c: {  	_ =	shalt  }
0x4d: {  	_ =	shalt  }
0x4e: {  	_ =	shalt  }
0x4f: {  	_ =	shalt  }
0x50: {  	_ =	shalt  }
0x51: {  	_ =	shalt  }
0x52: {  	_ =	shalt  }
0x53: {  	_ =	shalt  }
0x54: {  	_ =	shalt  }
0x55: {  	_ =	shalt  }
0x56: {  	_ =	shalt  }
0x57: {  	_ =	shalt  }
0x58: {  	_ =	shalt  }
0x59: {  	_ =	shalt  }
0x5a: {  	_ =	shalt  }
0x5b: {  	_ =	shalt  }
0x5c: {  	_ =	shalt  }
0x5d: {  	_ =	shalt  }
0x5e: {  	_ =	shalt  }
0x5f: {  	_ =	shalt  }
0x60: {  	_ =	shalt  }
0x61: {  	_ =	shalt  }
0x62: {  	_ =	shalt  }
0x63: {  	_ =	shalt  }
0x64: {  	_ =	shalt  }
0x65: {  	_ =	shalt  }
0x66: {  	_ =	shalt  }
0x67: {  	_ =	shalt  }
0x68: {  	_ =	shalt  }
0x69: {  	_ =	shalt  }
0x6a: {  	_ =	shalt  }
0x6b: {  	_ =	shalt  }
0x6c: {  	_ =	shalt  }
0x6d: {  	_ =	shalt  }
0x6e: {  	_ =	shalt  }
0x6f: {  	_ =	shalt  }
0x70: {  	_ =	shalt  }
0x71: {  	_ =	shalt  }
0x72: {  	_ =	shalt  }
0x73: {  	_ =	shalt  }
0x74: {  	_ =	shalt  }
0x75: {  	_ =	shalt  }
0x76: {  	_ =	shalt  }
0x77: {  	_ =	shalt  }
0x78: {  	_ =	shalt  }
0x79: {  	_ =	shalt  }
0x7a: {  	_ =	shalt  }
0x7b: {  	_ =	shalt  }
0x7c: {  	_ =	shalt  }
0x7d: {  	_ =	shalt  }
0x7e: {  	_ =	shalt  }
0x7f: {  	_ =	shalt  }
0x80: {  	_ =	shalt  }
0x81: {  	_ =	shalt  }
0x82: {  	_ =	shalt  }
0x83: {  	_ =	shalt  }
0x84: {  	_ =	shalt  }
0x85: {  	_ =	shalt  }
0x86: {  	_ =	shalt  }
0x87: {  	_ =	shalt  }
.Lfunc_end0:
.L_simem_size_0:
called_computation.1_lowered:
.L_overlay_start_0:
0x88: {  	s2 =	sld [smem:$0x3FD9]  }
0x89: {  	s3 =	sld [smem:$0x3FFE];
	_ =	sdelay $0x1  }
0x8a: {  	s1 =	srdreg.scid  }
0x8b: {  	s0 =	sand.u32 $0x1, s1  }
0x8c: {  	s17 =	sshll.u32 s0, $0xA;
	s2 =	sadd.s32 s3, s2  }
0x8d: {  	s2 =	sadd.s32 s2, s17  }
0x8e: {  	[smem:$0x3FC5] =	sst s2  }
0x8f: {  	_ = 	snop  }
0x90: {  	s2 =	sld [smem:$0x3FD0];
	(tm) =	ssettm $0x1  }
0x91: {  	s18 =	sld [smem:$0x3FFB];
	_ =	sdelay $0x3  }
0x92: {  	_ =	strace s18  }
0x93: {  	s3 =	sld [smem:$0x3FFC];
	_ =	sdelay $0x3  }
0x94: {  	_ =	strace s3  }
0x95: {  	s3 =	sld [smem:$0x3FFD];
	_ =	sdelay $0x3  }
0x96: {  	_ =	strace s3  }
0x97: {  	_ =	strace $0x8FFFFFFF  }
0x98: {  	s19 =	sld [smem:$0x3FDB];
	_ =	sdelay $0x1  }
0x99: {  	s4 =	simm.s32 $_scs_section_size  }
0x9a: {  	s5 =	simm.s32 $_size__tile_overlayer_lowered;
	s6 =	simm.s32 $_tile_overlayer_lowered  }
0x9b: {  	s22 =	simm.s32 $0x1BFF;
	s21 =	sshll.u32 s6, $0x1;
	s3 =	sadd.s32 s4, s19  }
0x9c: {  	s7 =	simm.s32 $0x0;
	s20 =	sshll.u32 s5, $0x1;
	s5 =	sadd.s32 s21, s3  }
0x9d: {  	[timem:s7], [sflag:s22] =	dma.local [hbm:s5], s20  }
0x9e: {  	_ =	swait.ge [sflag:s22], s20  }
0x9f: {  	s4 =	ssub.s32 $0x0, s20;
	[sflag:s22] =	ssyncset.done $0x0  }
0xa0: {  	[sflag:s22] =	ssyncadd.s32 s4;
	_ =	sdelay $0x1  }
0xa1: {  	s23 =	simm.s32 $0x1B8B  }
0xa2: {  	_ =	swait.ge [sflag:s23], $0x1  }
0xa3: {  	[sflag:s23] =	ssyncset.done $0x0  }
0xa4: {  	s25 =	simm.s32 $0x1B8E;
	s24 =	sld [smem:$0x3FFE];
	[sflag:s23] =	ssyncadd.s32 $0xFFFFFFFF  }
0xa5: {  	s26 =	simm.s32 $execute0_lowered;
	[smem:$0x3FD2] =	sst s25  }
0xa6: {  	s5 =	sshll.u32 s26, $0x1;
	_ =	strace $0x80000049;
	[dreg:$0x1] =	wrdreg $0xFFFFFFFF  }
0xa7: {  	s28 =	simm.s32 $_size_execute0_lowered;
	s3 =	sadd.s32 s3, s5;
	[dreg:$0x0] =	wrdreg $0x0  }
0xa8: {  	s5 =	sshll.u32 s28, $0x1;
	[dreg:$0x2] =	wrdreg s3  }
0xa9: {  	[dreg:$0x3] =	wrdreg s5  }
0xaa: {  	[dreg:$0x4] =	wrdreg $0xC0  }
0xab: {  	_ =	task [dreg:s7], $0x5FFFF  }
0xac: {  	[dreg:$0x1] =	wrdreg $0xFFFFFFFF  }
0xad: {  	[dreg:$0x0] =	wrdreg $0x60  }
0xae: {  	[dreg:$0x2] =	wrdreg s2  }
0xaf: {  	[dreg:$0x3] =	wrdreg s24  }
0xb0: {  	[dreg:$0x4] =	wrdreg $0x9  }
0xb1: {  	_ =	task.clear_ibuf [dreg:s7], $0x5FFFF;
	_ =	strace $0x90000049  }
0xb2: {  	s29 =	simm.s32 $0x9;
	_ =	strace $0x8000004B  }
0xb3: {  	_ =	swait.ge [sflag:s29], $0x1  }
0xb4: {  	[sflag:s29] =	ssyncadd.s32 $0xFFFFFFFF  }
0xb5: {  	_ =	strace $0x9000004B  }
0xb6: {  	_ =	sfence  }
0xb7: {  	s30 =	sld [smem:$0x0];
	_ =	sdelay $0x2  }
0xb8: {  	s31 =	sshll.u32 s1, $0xD;
	s1 =	sshrl.u32 s1, $0x2  }
0xb9: {  	s3 =	sand.u32 $0x4000, s31;
	s1 =	sadd.s32 s1, s30  }
0xba: {  	s0 =	sor.u32 s3, s0;
	s1 =	sshll.u32 s1, $0x11  }
0xbb: {  	s0 =	sor.u32 s1, s0  }
0xbc: {  	s0 =	sadd.s32 $0x8F2B, s0  }
0xbd: {  	[sflag:s0] =	ssyncadd.remote.s32 $0x1  }
0xbe: {  	_ =	sfence.sel $0xFFFF  }
0xbf: {  	[dreg:$0x0] =	wrdreg $0xFFFFFFFF;
	(pc) =	sbr.abs _section_cstart, $3  }
0xc0: {  	[dreg:$0x1] =	wrdreg $0xFFFFFFFF  }
0xc1: {  	_ =	task.clear_ibuf [dreg:s7], $0x2FFFF;
	_ =	strace $0x9FFFFFFF  }
0xc2: {  	(tm) =	ssettm $0x7FFFFFFF  }
0xc3: {  	_ =	shalt  }
tec
execute0_lowered:
.L_overlay_start_1:
0x0: {  	(tag) =	ssettag $0x1  }
0x1: {  	s0 =	srdreg.scid  }
0x2: {  	s4 =	rddreg [dreg:$0x0];
	s3 =	sand.u32 $0x1, s0  }
0x3: {  	s5 =	rddreg [dreg:$0x1];
	s0 =	stileid.u32;
	s1 =	sshll.u32 s3, $0x4  }
0x4: {  	s2 =	simm.s32 $0x0;
	s9 =	simm.s32 $0xC80;
	s6 =	sor.u32 s0, s1  }
0x5: {  	s10 =	simm.s32 $0x1900;
	s11 =	simm.s32 $0x2580;
	s6 =	smul.u32 $0xC40, s6  }
0x6: {  	s12 =	simm.s32 $0x0;
	[smem:$0x7FF] =	sst s2;
	s3 =	ssub.s32 $0x2, s3  }
0x7: {  	s1 =	rddreg [dreg:$0x2];
	s7 =	sshrl.u32 s3, $0x1;
	s6 =	sshrl.u32 s6, $0x3  }
0x8: {  	_ =	strace $0x8000004A;
	s7 =	ssub.s32 s3, s7;
	s3 =	sadd.s32 s4, s6  }
0x9: {  	s7 =	smax.u32 s7, $0x1;
	s8 =	sadd.s32 s6, s5;
	s4 =	sadd.s32 $0x3100, s3  }
0xa: {  	s5 =	sadd.s32 $0x600, s8;
	s6 =	sadd.s32 $0x3800, s8;
	s8 =	simm.s32 $0x1  }
.LBB2_1:
0xb: {  	[tilespmem:s2], [sflag:$0x1] =	stream.linear.gather [hbm4b:s3+s2], $0xC40, $0x38;
	[tilespmem:$0x3200] =	vst v63  }
0xc: {  	_ =	swait.ge [sflag:s8], $0xC40  }
0xd: {  	[sflag:s8] =	ssyncset.done $0x0  }
0xe: {  	[sflag:s8] =	ssyncadd.s32 $0xFFFFF3C0  }
0xf: {  	[tilespmem:s9], [sflag:$0x1] =	stream.linear.gather [hbm4b:s4+s2], $0xC40, $0x38;
	[tilespmem:$0x3200] =	vst v63  }
0x10: {  	_ =	swait.ge [sflag:s8], $0xC40  }
0x11: {  	[sflag:s8] =	ssyncset.done $0x0  }
0x12: {  	[sflag:s8] =	ssyncadd.s32 $0xFFFFF3C0  }
0x13: {  	[tilespmem:s10], [sflag:$0x1] =	stream.linear.gather [hbm4b:s5+s2], $0xC40, $0x38;
	[tilespmem:$0x3200] =	vst v63  }
0x14: {  	_ =	swait.ge [sflag:s8], $0xC40  }
0x15: {  	[sflag:s8] =	ssyncset.done $0x0  }
0x16: {  	s13 =	simm.s32 $0x0;
	[sflag:s8] =	ssyncadd.s32 $0xFFFFF3C0  }
0x17: {  	v0 =	vld [tilespmem:s13+$0x0]  }
0x18: {  	v1 =	vld [tilespmem:s13+$0xC80];
	_ =	sdelay $0x1  }
0x19: {  	v2 =	vld [tilespmem:s13+$0x1900]  }
0x1a: {  	s14 =	simm.s32 $0x40  }
.LBB2_2:
0x1b: {  	s15 =	sshra.s32 s14, $0x2;
	p0 =	sne.s32 s14, $0x30C0  }
.Ltmp0:
0x1c: {  	s14 =	sadd.s32 $0x40, s14;
	v3 =	vadd.f32 v1, v0;
	v0 =	vld [tilespmem:s15+$0x0];
	(pc) =	sbr.rel @p0 .LBB2_2-.Ltmp0, $4  }
0x1d: {  	v1 =	vld [tilespmem:s15+$0xC80]  }
0x1e: {  	v3 =	vsub.f32 v2, v3  }
0x1f: {  	v2 =	vld [tilespmem:s15+$0x1900]  }
0x20: {  	[tilespmem:s13+$0x2580] =	vst v3;
	s13 =	smov.u32 s15  }
0x21: {  	_ = 	snop  }
0x22: {  	v0 =	vadd.f32 v1, v0;
	_ =	sdelay $0x1  }
0x23: {  	s12 =	sadd.s32 $0x1, s12;
	v0 =	vsub.f32 v2, v0  }
0x24: {  	p0 =	sne.s32 s12, s7  }
.Ltmp1:
0x25: {  	[tilespmem:s13+$0x2580] =	vst v0;
	(pc) =	sbr.rel @p0 .LBB2_1-.Ltmp1, $4  }
0x26: {  	[hbm4b:s6+s2] =	stream.linear.scatter [tilespmem:s11], [sflag:$0x1], $0xC40, $0x38;
	[tilespmem:$0x3200] =	vst v63  }
0x27: {  	_ =	swait.ge [sflag:s8], $0xC40  }
0x28: {  	[sflag:s8] =	ssyncset.done $0x0  }
0x29: {  	[sflag:s8] =	ssyncadd.s32 $0xFFFFF3C0  }
0x2a: {  	_ =	sfence.sel $0x180000  }
0x2b: {  	[bflag:$0x0] =	sbarrier.arrive $0xFFFF  }
0x2c: {  	p0 =	sne.s32 s0, $0x0;
	_ =	strace $0x9000004A  }
0x2d: {  	s0 =	sadd.s32 @!p0 $0x100000, s1;
	[bflag:$0x2] =	sbarrier.arrive $0xFFFF  }
0x2e: {  	[sflag:s0] =	ssyncadd.tile.s32 @!p0 $0x1;
	_ =	shalt  }
.Lfunc_end2:
_tile_overlayer_lowered:
.L_overlay_start_2:
0x2f: {  	(tag) =	ssettag $0x2  }
0x30: {  	s0 =	rddreg [dreg:$0x0];
	s2 =	stileid.u32  }
0x31: {  	s1 =	rddreg [dreg:$0x1];
	p0 =	sne.s32 s2, $0x0  }
0x32: {  	s3 =	rddreg [dreg:$0x2];
	[bflag:$0x3] =	sbarrier.arrive $0xFFFF;
	s2 =	simm.s32 @!p0 $0x1C01  }
0x33: {  	[timem:s3], [sflag:s2] =	dma.local @!p0 [hbm:s0], s1  }
0x34: {  	s0 =	simm.s32 @!p0 $0x1  }
0x35: {  	_ =	swait.ge @!p0 [sflag:s0], s1  }
0x36: {  	s1 =	ssub.s32 @!p0 $0x0, s1;
	[sflag:s0] =	ssyncset.done @!p0 $0x0  }
0x37: {  	[sflag:s0] =	ssyncadd.s32 @!p0 s1  }
0x38: {  	[bflag:$0x3] =	sbarrier.arrive $0xFFFF  }
0x39: {  	_ =	shalt  }

</sc_bundles>
